<compile_context>
chip_gen: v7x
topology: tpu7x:2x2x1
jax: 0.10.2.dev20260603
libtpu: 0.0.44.dev20260713+nightly
codegen_flags: <defaults>
</compile_context>

<pallas_src>
import functools

import jax
import jax.numpy as jnp
from jax import lax
from jax.experimental import pallas as pl
from jax.experimental.pallas import tpu as pltpu
from jax.experimental.pallas import tpu_sc as plsc

_NUM_CORES = 2
_NUM_SUBCORES = 16
_NUM_WORKERS = _NUM_CORES * _NUM_SUBCORES

_BB = 128
_L = 16
_NBUF = 4


@functools.lru_cache(maxsize=None)
def _make_gather(V, D, B, H):
    assert D % _L == 0 and B % (_NUM_WORKERS * _BB) == 0
    td_n = D // 8
    tb_per_w = B // (_NUM_WORKERS * _BB)
    b_per_w = tb_per_w * _BB
    n_blocks = H * tb_per_w
    assert n_blocks % _NBUF == 0

    mesh = plsc.VectorSubcoreMesh(
        core_axis_name="c",
        subcore_axis_name="s",
        num_cores=_NUM_CORES,
        num_subcores=_NUM_SUBCORES,
    )

    @functools.partial(
        pl.kernel,
        mesh=mesh,
        out_type=jax.ShapeDtypeStruct((H, td_n, B // _BB, 8 * _BB), jnp.float32),
        scratch_types=[
            pltpu.VMEM((H, b_per_w), jnp.int32),
            [pltpu.VMEM((_BB, D), jnp.float32) for _ in range(_NBUF)],
            [pltpu.VMEM((td_n, 8 * _BB), jnp.float32) for _ in range(_NBUF)],
            [pltpu.SemaphoreType.DMA for _ in range(_NBUF)],
            [pltpu.SemaphoreType.DMA for _ in range(_NBUF)],
        ],
        compiler_params=pltpu.CompilerParams(
            use_tc_tiling_on_sc=False, needs_layout_passes=False),
    )
    def gather_kernel(xt_hbm, table_hbm, out_hbm, idx_all, rows, touts, gsems, wsems):
        wid = lax.axis_index("s") * _NUM_CORES + lax.axis_index("c")
        tb_base = wid * tb_per_w

        pltpu.sync_copy(xt_hbm.at[:, pl.ds(wid * b_per_w, b_per_w)], idx_all)

        def coords(i):
            return i // tb_per_w, i % tb_per_w

        def gather_desc(i, p):
            h, tbl = coords(i)
            return pltpu.make_async_copy(
                table_hbm.at[idx_all.at[h, pl.ds(tbl * _BB, _BB)]],
                rows[p],
                gsems[p],
            )

        def wb_descs(i, p):
            h, tbl = coords(i)
            return [
                pltpu.make_async_copy(
                    touts[p],
                    out_hbm.at[h, :, tb_base + tbl],
                    wsems[p],
                )
            ]

        lane_d = [v * _L + lax.iota(jnp.int32, _L) for v in range(D // _L)]
        scatter_td = [d // 8 for d in lane_d]
        scatter_base = [(d % 8) * _BB for d in lane_d]

        def transpose_block(p):
            @plsc.parallel_loop(0, _BB, step=1, unroll=8)
            def _t(b):
                for v in range(D // _L):
                    vec = rows[p][b, pl.ds(v * _L, _L)]
                    plsc.store_scatter(
                        touts[p], [scatter_td[v], scatter_base[v] + b], vec)

        for p in range(_NBUF):
            gather_desc(jnp.int32(p), p).start()

        @pl.loop(0, n_blocks, step=_NBUF)
        def _blocks(i0):
            for p in range(_NBUF):
                i = i0 + p
                gather_desc(i, p).wait()

                @pl.when(i >= _NBUF)
                def _wait_prev_wb():
                    for d in wb_descs(i - _NBUF, p):
                        d.wait()

                transpose_block(p)
                for d in wb_descs(i, p):
                    d.start()

                @pl.when(i + _NBUF < n_blocks)
                def _next():
                    gather_desc(i + _NBUF, p).start()

        for p in range(_NBUF):
            for d in wb_descs(jnp.int32(n_blocks - _NBUF + p), p):
                d.wait()

    return gather_kernel


def kernel(x, table):
    batch, hist = x.shape
    vocab, dim = table.shape
    xt = x.T.astype(jnp.int32)
    out5 = _make_gather(vocab, dim, batch, hist)(xt, table)
    out5 = out5.reshape(hist, dim // 8, batch // _BB, 8, _BB)
    return out5.transpose(2, 4, 0, 1, 3).reshape(batch, hist, dim)

# --- scband reference (transcript-rebuilt; emitter-appended) ---
"""Pipeline reference for scband-embedding-layer-2465311228449 (READ-ONLY COPY).

The authoritative reference and input builder live on the scoring server;
editing this copy changes nothing except your own understanding.
"""

import jax, jax.numpy as jnp
import numpy as np

VOCAB_SIZE = 1000000
EMB_SIZE = 32
BATCH = 16384
HIST = 50


def setup_inputs(seed: int = 0) -> dict:
    key = jax.random.key(seed)
    k_idx, k_tab = jax.random.split(key)
    x = jax.random.randint(k_idx, (BATCH, HIST), 0, VOCAB_SIZE, dtype=jnp.int64) if jax.config.jax_enable_x64 else jax.random.randint(k_idx, (BATCH, HIST), 0, VOCAB_SIZE, dtype=jnp.int32)
    table = jax.random.normal(k_tab, (VOCAB_SIZE, EMB_SIZE), dtype=jnp.float32)
    return {"x": x, "table": table}


def reference(x, table):
    # EmbeddingLayer.forward: nn.Embedding lookup -> gather rows of the table
    return jnp.take(table, x, axis=0)

if __name__ == "__main__":
    import jax
    _d = setup_inputs()
    print(jax.jit(kernel)(*tuple(_d.values())))

</pallas_src>

<mosaic_0001>
#map = affine_map<(d0, d1) -> (0, 0)>
#map1 = affine_map<(d0, d1) -> (0, 0, 0, 0)>
module attributes {stable_mosaic.version = 14 : i64} {
  func.func @gather_kernel(%arg0: i32, %arg1: i32, %arg2: memref<50x16384xi32, #tpu.memory_space<hbm>>, %arg3: memref<1000000x32xf32, #tpu.memory_space<hbm>>, %arg4: memref<50x4x128x1024xf32, #tpu.memory_space<hbm>>, %arg5: memref<50x512xi32, #tpu.memory_space<vmem>>, %arg6: memref<128x32xf32, #tpu.memory_space<vmem>>, %arg7: memref<128x32xf32, #tpu.memory_space<vmem>>, %arg8: memref<128x32xf32, #tpu.memory_space<vmem>>, %arg9: memref<128x32xf32, #tpu.memory_space<vmem>>, %arg10: memref<4x1024xf32, #tpu.memory_space<vmem>>, %arg11: memref<4x1024xf32, #tpu.memory_space<vmem>>, %arg12: memref<4x1024xf32, #tpu.memory_space<vmem>>, %arg13: memref<4x1024xf32, #tpu.memory_space<vmem>>, %arg14: memref<!tpu.dma_semaphore, #tpu.memory_space<semaphore_mem>>, %arg15: memref<!tpu.dma_semaphore, #tpu.memory_space<semaphore_mem>>, %arg16: memref<!tpu.dma_semaphore, #tpu.memory_space<semaphore_mem>>, %arg17: memref<!tpu.dma_semaphore, #tpu.memory_space<semaphore_mem>>, %arg18: memref<!tpu.dma_semaphore, #tpu.memory_space<semaphore_mem>>, %arg19: memref<!tpu.dma_semaphore, #tpu.memory_space<semaphore_mem>>, %arg20: memref<!tpu.dma_semaphore, #tpu.memory_space<semaphore_mem>>, %arg21: memref<!tpu.dma_semaphore, #tpu.memory_space<semaphore_mem>>) attributes {dimension_semantics = [#tpu.dimension_semantics<core_parallel>, #tpu.dimension_semantics<subcore_parallel>], iteration_bounds = array<i64: 2, 16>, scalar_prefetch = 0 : i64, scratch_operands = 17 : i64, tpu.core_type = #tpu.core_type<sc_vector_subcore>, window_params = [{transform_indices = #map}, {transform_indices = #map}, {transform_indices = #map1}]} {
    %mul3A = arith.constant 2 : i32
    %mul3A_0 = arith.muli %arg1, %mul3A : i32
    %add3A = arith.addi %mul3A_0, %arg0 : i32
    %mul3A_1 = arith.constant 4 : i32
    %mul3A_2 = arith.muli %add3A, %mul3A_1 : i32
    %mul3A_3 = arith.constant 512 : i32
    %mul3A_4 = arith.muli %add3A, %mul3A_3 : i32
    "tpu.region"() ({
      %run_scoped3A = tpu.sem_alloc : memref<!tpu.dma_semaphore, #tpu.memory_space<semaphore_mem>>
      %dma_start3A_516 = arith.constant 0 : i32
      %dma_start3A_517 = tpu.memref_slice %arg2[%dma_start3A_516, %mul3A_4] : memref<50x16384xi32, #tpu.memory_space<hbm>> -> memref<50x512xi32, #tpu.memory_space<hbm>>
      %dma_start3A_518 = arith.constant 0 : i32
      %dma_start3A_519 = tpu.memref_slice %arg2[%dma_start3A_518, %mul3A_4] : memref<50x16384xi32, #tpu.memory_space<hbm>> -> memref<50x512xi32, #tpu.memory_space<hbm>>
      tpu.enqueue_dma source(%dma_start3A_519 : memref<50x512xi32, #tpu.memory_space<hbm>>) target(%arg5 : memref<50x512xi32, #tpu.memory_space<vmem>>) target_semaphore(%run_scoped3A : memref<!tpu.dma_semaphore, #tpu.memory_space<semaphore_mem>>)
      %dma_wait3A_520 = arith.constant 0 : i32
      %dma_wait3A_521 = tpu.memref_slice %arg2[%dma_wait3A_520, %mul3A_4] : memref<50x16384xi32, #tpu.memory_space<hbm>> -> memref<50x512xi32, #tpu.memory_space<hbm>>
      %dma_wait3A_522 = arith.constant 0 : i32
      %dma_wait3A_523 = tpu.memref_slice %arg2[%dma_wait3A_522, %mul3A_4] : memref<50x16384xi32, #tpu.memory_space<hbm>> -> memref<50x512xi32, #tpu.memory_space<hbm>>
      tpu.wait_dma2 semaphore(%run_scoped3A : memref<!tpu.dma_semaphore, #tpu.memory_space<semaphore_mem>>) src(%dma_wait3A_523 : memref<50x512xi32, #tpu.memory_space<hbm>>) dst(%arg5 : memref<50x512xi32, #tpu.memory_space<vmem>>)
      tpu.yield
    }) : () -> ()
    %iota3A = tpu.iota {dimensions = array<i32: 0>} : vector<16xi32>
    %add3A_5 = arith.constant 0 : i32
    %add3A_6 = vector.broadcast %add3A_5 : i32 to vector<16xi32>
    %add3A_7 = arith.addi %add3A_6, %iota3A : vector<16xi32>
    %iota3A_8 = tpu.iota {dimensions = array<i32: 0>} : vector<16xi32>
    %add3A_9 = arith.constant 16 : i32
    %add3A_10 = vector.broadcast %add3A_9 : i32 to vector<16xi32>
    %add3A_11 = arith.addi %add3A_10, %iota3A_8 : vector<16xi32>
    %jit3A = arith.constant 8 : i32
    %div3A = vector.broadcast %jit3A : i32 to vector<16xi32>
    %div3A_12 = arith.divsi %add3A_7, %div3A : vector<16xi32>
    %sign3A = arith.constant 0 : i32
    %sign3A_13 = vector.broadcast %sign3A : i32 to vector<16xi32>
    %sign3A_14 = arith.cmpi sgt, %add3A_7, %sign3A_13 : vector<16xi32>
    %sign3A_15 = arith.extui %sign3A_14 : vector<16xi1> to vector<16xi32>
    %sign3A_16 = arith.constant 0 : i32
    %sign3A_17 = vector.broadcast %sign3A_16 : i32 to vector<16xi32>
    %sign3A_18 = arith.cmpi slt, %add3A_7, %sign3A_17 : vector<16xi32>
    %sign3A_19 = arith.extui %sign3A_18 : vector<16xi1> to vector<16xi32>
    %sign3A_20 = arith.subi %sign3A_15, %sign3A_19 : vector<16xi32>
    %sign3A_21 = arith.constant 0 : i32
    %sign3A_22 = arith.cmpi sgt, %jit3A, %sign3A_21 : i32
    %sign3A_23 = arith.extui %sign3A_22 : i1 to i32
    %sign3A_24 = arith.constant 0 : i32
    %sign3A_25 = arith.cmpi slt, %jit3A, %sign3A_24 : i32
    %sign3A_26 = arith.extui %sign3A_25 : i1 to i32
    %sign3A_27 = arith.subi %sign3A_23, %sign3A_26 : i32
    %ne3A = vector.broadcast %sign3A_27 : i32 to vector<16xi32>
    %ne3A_28 = arith.cmpi ne, %sign3A_20, %ne3A : vector<16xi32>
    %rem3A = vector.broadcast %jit3A : i32 to vector<16xi32>
    %rem3A_29 = arith.remsi %add3A_7, %rem3A : vector<16xi32>
    %ne3A_30 = arith.constant 0 : i32
    %ne3A_31 = vector.broadcast %ne3A_30 : i32 to vector<16xi32>
    %ne3A_32 = arith.cmpi ne, %rem3A_29, %ne3A_31 : vector<16xi32>
    %and3A = arith.andi %ne3A_28, %ne3A_32 : vector<16xi1>
    %sub3A = arith.constant 1 : i32
    %sub3A_33 = vector.broadcast %sub3A : i32 to vector<16xi32>
    %sub3A_34 = arith.subi %div3A_12, %sub3A_33 : vector<16xi32>
    %select_n3A = arith.select %and3A, %sub3A_34, %div3A_12 : vector<16xi1>, vector<16xi32>
    %jit3A_35 = arith.constant 8 : i32
    %div3A_36 = vector.broadcast %jit3A_35 : i32 to vector<16xi32>
    %div3A_37 = arith.divsi %add3A_11, %div3A_36 : vector<16xi32>
    %sign3A_38 = arith.constant 0 : i32
    %sign3A_39 = vector.broadcast %sign3A_38 : i32 to vector<16xi32>
    %sign3A_40 = arith.cmpi sgt, %add3A_11, %sign3A_39 : vector<16xi32>
    %sign3A_41 = arith.extui %sign3A_40 : vector<16xi1> to vector<16xi32>
    %sign3A_42 = arith.constant 0 : i32
    %sign3A_43 = vector.broadcast %sign3A_42 : i32 to vector<16xi32>
    %sign3A_44 = arith.cmpi slt, %add3A_11, %sign3A_43 : vector<16xi32>
    %sign3A_45 = arith.extui %sign3A_44 : vector<16xi1> to vector<16xi32>
    %sign3A_46 = arith.subi %sign3A_41, %sign3A_45 : vector<16xi32>
    %sign3A_47 = arith.constant 0 : i32
    %sign3A_48 = arith.cmpi sgt, %jit3A_35, %sign3A_47 : i32
    %sign3A_49 = arith.extui %sign3A_48 : i1 to i32
    %sign3A_50 = arith.constant 0 : i32
    %sign3A_51 = arith.cmpi slt, %jit3A_35, %sign3A_50 : i32
    %sign3A_52 = arith.extui %sign3A_51 : i1 to i32
    %sign3A_53 = arith.subi %sign3A_49, %sign3A_52 : i32
    %ne3A_54 = vector.broadcast %sign3A_53 : i32 to vector<16xi32>
    %ne3A_55 = arith.cmpi ne, %sign3A_46, %ne3A_54 : vector<16xi32>
    %rem3A_56 = vector.broadcast %jit3A_35 : i32 to vector<16xi32>
    %rem3A_57 = arith.remsi %add3A_11, %rem3A_56 : vector<16xi32>
    %ne3A_58 = arith.constant 0 : i32
    %ne3A_59 = vector.broadcast %ne3A_58 : i32 to vector<16xi32>
    %ne3A_60 = arith.cmpi ne, %rem3A_57, %ne3A_59 : vector<16xi32>
    %and3A_61 = arith.andi %ne3A_55, %ne3A_60 : vector<16xi1>
    %sub3A_62 = arith.constant 1 : i32
    %sub3A_63 = vector.broadcast %sub3A_62 : i32 to vector<16xi32>
    %sub3A_64 = arith.subi %div3A_37, %sub3A_63 : vector<16xi32>
    %select_n3A_65 = arith.select %and3A_61, %sub3A_64, %div3A_37 : vector<16xi1>, vector<16xi32>
    %jit3A_66 = arith.constant 8 : i32
    %eq3A = arith.constant 0 : i32
    %eq3A_67 = arith.cmpi eq, %jit3A_66, %eq3A : i32
    %jit3A_68 = arith.constant 1 : i32
    %select_n3A_69 = arith.select %eq3A_67, %jit3A_68, %jit3A_66 : i32
    %rem3A_70 = vector.broadcast %select_n3A_69 : i32 to vector<16xi32>
    %rem3A_71 = arith.remsi %add3A_7, %rem3A_70 : vector<16xi32>
    %ne3A_72 = arith.constant 0 : i32
    %ne3A_73 = vector.broadcast %ne3A_72 : i32 to vector<16xi32>
    %ne3A_74 = arith.cmpi ne, %rem3A_71, %ne3A_73 : vector<16xi32>
    %lt3A = arith.constant 0 : i32
    %lt3A_75 = vector.broadcast %lt3A : i32 to vector<16xi32>
    %lt3A_76 = arith.cmpi slt, %rem3A_71, %lt3A_75 : vector<16xi32>
    %lt3A_77 = arith.constant 0 : i32
    %lt3A_78 = arith.cmpi slt, %select_n3A_69, %lt3A_77 : i32
    %ne3A_79 = vector.broadcast %lt3A_78 : i1 to vector<16xi1>
    %ne3A_80 = vector.broadcast %ne3A_79 : vector<16xi1> to vector<16xi1>
    %ne3A_81 = arith.xori %lt3A_76, %ne3A_80 : vector<16xi1>
    %and3A_82 = arith.andi %ne3A_81, %ne3A_74 : vector<16xi1>
    %add3A_83 = vector.broadcast %select_n3A_69 : i32 to vector<16xi32>
    %add3A_84 = arith.addi %rem3A_71, %add3A_83 : vector<16xi32>
    %select_n3A_85 = arith.select %and3A_82, %add3A_84, %rem3A_71 : vector<16xi1>, vector<16xi32>
    %mul3A_86 = arith.constant 128 : i32
    %mul3A_87 = vector.broadcast %mul3A_86 : i32 to vector<16xi32>
    %mul3A_88 = arith.muli %select_n3A_85, %mul3A_87 : vector<16xi32>
    %jit3A_89 = arith.constant 8 : i32
    %eq3A_90 = arith.constant 0 : i32
    %eq3A_91 = arith.cmpi eq, %jit3A_89, %eq3A_90 : i32
    %jit3A_92 = arith.constant 1 : i32
    %select_n3A_93 = arith.select %eq3A_91, %jit3A_92, %jit3A_89 : i32
    %rem3A_94 = vector.broadcast %select_n3A_93 : i32 to vector<16xi32>
    %rem3A_95 = arith.remsi %add3A_11, %rem3A_94 : vector<16xi32>
    %ne3A_96 = arith.constant 0 : i32
    %ne3A_97 = vector.broadcast %ne3A_96 : i32 to vector<16xi32>
    %ne3A_98 = arith.cmpi ne, %rem3A_95, %ne3A_97 : vector<16xi32>
    %lt3A_99 = arith.constant 0 : i32
    %lt3A_100 = vector.broadcast %lt3A_99 : i32 to vector<16xi32>
    %lt3A_101 = arith.cmpi slt, %rem3A_95, %lt3A_100 : vector<16xi32>
    %lt3A_102 = arith.constant 0 : i32
    %lt3A_103 = arith.cmpi slt, %select_n3A_93, %lt3A_102 : i32
    %ne3A_104 = vector.broadcast %lt3A_103 : i1 to vector<16xi1>
    %ne3A_105 = vector.broadcast %ne3A_104 : vector<16xi1> to vector<16xi1>
    %ne3A_106 = arith.xori %lt3A_101, %ne3A_105 : vector<16xi1>
    %and3A_107 = arith.andi %ne3A_106, %ne3A_98 : vector<16xi1>
    %add3A_108 = vector.broadcast %select_n3A_93 : i32 to vector<16xi32>
    %add3A_109 = arith.addi %rem3A_95, %add3A_108 : vector<16xi32>
    %select_n3A_110 = arith.select %and3A_107, %add3A_109, %rem3A_95 : vector<16xi1>, vector<16xi32>
    %mul3A_111 = arith.constant 128 : i32
    %mul3A_112 = vector.broadcast %mul3A_111 : i32 to vector<16xi32>
    %mul3A_113 = arith.muli %select_n3A_110, %mul3A_112 : vector<16xi32>
    %jit3A_114 = arith.constant 0 : i32
    %jit3A_115 = arith.constant 4 : i32
    %div3A_116 = arith.divsi %jit3A_114, %jit3A_115 : i32
    %sign3A_117 = arith.constant 0 : i32
    %sign3A_118 = arith.cmpi sgt, %jit3A_114, %sign3A_117 : i32
    %sign3A_119 = arith.extui %sign3A_118 : i1 to i32
    %sign3A_120 = arith.constant 0 : i32
    %sign3A_121 = arith.cmpi slt, %jit3A_114, %sign3A_120 : i32
    %sign3A_122 = arith.extui %sign3A_121 : i1 to i32
    %sign3A_123 = arith.subi %sign3A_119, %sign3A_122 : i32
    %sign3A_124 = arith.constant 0 : i32
    %sign3A_125 = arith.cmpi sgt, %jit3A_115, %sign3A_124 : i32
    %sign3A_126 = arith.extui %sign3A_125 : i1 to i32
    %sign3A_127 = arith.constant 0 : i32
    %sign3A_128 = arith.cmpi slt, %jit3A_115, %sign3A_127 : i32
    %sign3A_129 = arith.extui %sign3A_128 : i1 to i32
    %sign3A_130 = arith.subi %sign3A_126, %sign3A_129 : i32
    %ne3A_131 = arith.cmpi ne, %sign3A_123, %sign3A_130 : i32
    %rem3A_132 = arith.remsi %jit3A_114, %jit3A_115 : i32
    %ne3A_133 = arith.constant 0 : i32
    %ne3A_134 = arith.cmpi ne, %rem3A_132, %ne3A_133 : i32
    %and3A_135 = arith.andi %ne3A_131, %ne3A_134 : i1
    %sub3A_136 = arith.constant 1 : i32
    %sub3A_137 = arith.subi %div3A_116, %sub3A_136 : i32
    %select_n3A_138 = arith.select %and3A_135, %sub3A_137, %div3A_116 : i32
    %jit3A_139 = arith.constant 0 : i32
    %jit3A_140 = arith.constant 4 : i32
    %eq3A_141 = arith.constant 0 : i32
    %eq3A_142 = arith.cmpi eq, %jit3A_140, %eq3A_141 : i32
    %jit3A_143 = arith.constant 1 : i32
    %select_n3A_144 = arith.select %eq3A_142, %jit3A_143, %jit3A_140 : i32
    %rem3A_145 = arith.remsi %jit3A_139, %select_n3A_144 : i32
    %ne3A_146 = arith.constant 0 : i32
    %ne3A_147 = arith.cmpi ne, %rem3A_145, %ne3A_146 : i32
    %lt3A_148 = arith.constant 0 : i32
    %lt3A_149 = arith.cmpi slt, %rem3A_145, %lt3A_148 : i32
    %lt3A_150 = arith.constant 0 : i32
    %lt3A_151 = arith.cmpi slt, %select_n3A_144, %lt3A_150 : i32
    %ne3A_152 = arith.xori %lt3A_149, %lt3A_151 : i1
    %and3A_153 = arith.andi %ne3A_152, %ne3A_147 : i1
    %add3A_154 = arith.addi %rem3A_145, %select_n3A_144 : i32
    %select_n3A_155 = arith.select %and3A_153, %add3A_154, %rem3A_145 : i32
    %mul3A_156 = arith.constant 128 : i32
    %mul3A_157 = arith.muli %select_n3A_155, %mul3A_156 : i32
    %dma_start3A = tpu.memref_slice %arg5[%select_n3A_138, %mul3A_157] : memref<50x512xi32, #tpu.memory_space<vmem>> -> memref<1x128xi32, #tpu.memory_space<vmem>>
    %dma_start3A_158 = tpu.memref_squeeze %dma_start3A : memref<1x128xi32, #tpu.memory_space<vmem>> -> memref<128xi32, #tpu.memory_space<vmem>>
    %dma_start3A_159 = arith.constant 0 : i32
    %dma_start3A_160 = arith.constant 0 : i32
    %dma_start3A_161 = tpu.memref_slice %arg3[%dma_start3A_159, %dma_start3A_160] : memref<1000000x32xf32, #tpu.memory_space<hbm>> -> memref<1000000x32xf32, #tpu.memory_space<hbm>>
    tpu.enqueue_indirect_dma source(%dma_start3A_161 : memref<1000000x32xf32, #tpu.memory_space<hbm>>) target(%arg6 : memref<128x32xf32, #tpu.memory_space<vmem>>) offsets(%dma_start3A_158 : memref<128xi32, #tpu.memory_space<vmem>>) semaphore(%arg14 : memref<!tpu.dma_semaphore, #tpu.memory_space<semaphore_mem>>)
    %jit3A_162 = arith.constant 1 : i32
    %jit3A_163 = arith.constant 4 : i32
    %div3A_164 = arith.divsi %jit3A_162, %jit3A_163 : i32
    %sign3A_165 = arith.constant 0 : i32
    %sign3A_166 = arith.cmpi sgt, %jit3A_162, %sign3A_165 : i32
    %sign3A_167 = arith.extui %sign3A_166 : i1 to i32
    %sign3A_168 = arith.constant 0 : i32
    %sign3A_169 = arith.cmpi slt, %jit3A_162, %sign3A_168 : i32
    %sign3A_170 = arith.extui %sign3A_169 : i1 to i32
    %sign3A_171 = arith.subi %sign3A_167, %sign3A_170 : i32
    %sign3A_172 = arith.constant 0 : i32
    %sign3A_173 = arith.cmpi sgt, %jit3A_163, %sign3A_172 : i32
    %sign3A_174 = arith.extui %sign3A_173 : i1 to i32
    %sign3A_175 = arith.constant 0 : i32
    %sign3A_176 = arith.cmpi slt, %jit3A_163, %sign3A_175 : i32
    %sign3A_177 = arith.extui %sign3A_176 : i1 to i32
    %sign3A_178 = arith.subi %sign3A_174, %sign3A_177 : i32
    %ne3A_179 = arith.cmpi ne, %sign3A_171, %sign3A_178 : i32
    %rem3A_180 = arith.remsi %jit3A_162, %jit3A_163 : i32
    %ne3A_181 = arith.constant 0 : i32
    %ne3A_182 = arith.cmpi ne, %rem3A_180, %ne3A_181 : i32
    %and3A_183 = arith.andi %ne3A_179, %ne3A_182 : i1
    %sub3A_184 = arith.constant 1 : i32
    %sub3A_185 = arith.subi %div3A_164, %sub3A_184 : i32
    %select_n3A_186 = arith.select %and3A_183, %sub3A_185, %div3A_164 : i32
    %jit3A_187 = arith.constant 1 : i32
    %jit3A_188 = arith.constant 4 : i32
    %eq3A_189 = arith.constant 0 : i32
    %eq3A_190 = arith.cmpi eq, %jit3A_188, %eq3A_189 : i32
    %jit3A_191 = arith.constant 1 : i32
    %select_n3A_192 = arith.select %eq3A_190, %jit3A_191, %jit3A_188 : i32
    %rem3A_193 = arith.remsi %jit3A_187, %select_n3A_192 : i32
    %ne3A_194 = arith.constant 0 : i32
    %ne3A_195 = arith.cmpi ne, %rem3A_193, %ne3A_194 : i32
    %lt3A_196 = arith.constant 0 : i32
    %lt3A_197 = arith.cmpi slt, %rem3A_193, %lt3A_196 : i32
    %lt3A_198 = arith.constant 0 : i32
    %lt3A_199 = arith.cmpi slt, %select_n3A_192, %lt3A_198 : i32
    %ne3A_200 = arith.xori %lt3A_197, %lt3A_199 : i1
    %and3A_201 = arith.andi %ne3A_200, %ne3A_195 : i1
    %add3A_202 = arith.addi %rem3A_193, %select_n3A_192 : i32
    %select_n3A_203 = arith.select %and3A_201, %add3A_202, %rem3A_193 : i32
    %mul3A_204 = arith.constant 128 : i32
    %mul3A_205 = arith.muli %select_n3A_203, %mul3A_204 : i32
    %dma_start3A_206 = tpu.memref_slice %arg5[%select_n3A_186, %mul3A_205] : memref<50x512xi32, #tpu.memory_space<vmem>> -> memref<1x128xi32, #tpu.memory_space<vmem>>
    %dma_start3A_207 = tpu.memref_squeeze %dma_start3A_206 : memref<1x128xi32, #tpu.memory_space<vmem>> -> memref<128xi32, #tpu.memory_space<vmem>>
    %dma_start3A_208 = arith.constant 0 : i32
    %dma_start3A_209 = arith.constant 0 : i32
    %dma_start3A_210 = tpu.memref_slice %arg3[%dma_start3A_208, %dma_start3A_209] : memref<1000000x32xf32, #tpu.memory_space<hbm>> -> memref<1000000x32xf32, #tpu.memory_space<hbm>>
    tpu.enqueue_indirect_dma source(%dma_start3A_210 : memref<1000000x32xf32, #tpu.memory_space<hbm>>) target(%arg7 : memref<128x32xf32, #tpu.memory_space<vmem>>) offsets(%dma_start3A_207 : memref<128xi32, #tpu.memory_space<vmem>>) semaphore(%arg15 : memref<!tpu.dma_semaphore, #tpu.memory_space<semaphore_mem>>)
    %jit3A_211 = arith.constant 2 : i32
    %jit3A_212 = arith.constant 4 : i32
    %div3A_213 = arith.divsi %jit3A_211, %jit3A_212 : i32
    %sign3A_214 = arith.constant 0 : i32
    %sign3A_215 = arith.cmpi sgt, %jit3A_211, %sign3A_214 : i32
    %sign3A_216 = arith.extui %sign3A_215 : i1 to i32
    %sign3A_217 = arith.constant 0 : i32
    %sign3A_218 = arith.cmpi slt, %jit3A_211, %sign3A_217 : i32
    %sign3A_219 = arith.extui %sign3A_218 : i1 to i32
    %sign3A_220 = arith.subi %sign3A_216, %sign3A_219 : i32
    %sign3A_221 = arith.constant 0 : i32
    %sign3A_222 = arith.cmpi sgt, %jit3A_212, %sign3A_221 : i32
    %sign3A_223 = arith.extui %sign3A_222 : i1 to i32
    %sign3A_224 = arith.constant 0 : i32
    %sign3A_225 = arith.cmpi slt, %jit3A_212, %sign3A_224 : i32
    %sign3A_226 = arith.extui %sign3A_225 : i1 to i32
    %sign3A_227 = arith.subi %sign3A_223, %sign3A_226 : i32
    %ne3A_228 = arith.cmpi ne, %sign3A_220, %sign3A_227 : i32
    %rem3A_229 = arith.remsi %jit3A_211, %jit3A_212 : i32
    %ne3A_230 = arith.constant 0 : i32
    %ne3A_231 = arith.cmpi ne, %rem3A_229, %ne3A_230 : i32
    %and3A_232 = arith.andi %ne3A_228, %ne3A_231 : i1
    %sub3A_233 = arith.constant 1 : i32
    %sub3A_234 = arith.subi %div3A_213, %sub3A_233 : i32
    %select_n3A_235 = arith.select %and3A_232, %sub3A_234, %div3A_213 : i32
    %jit3A_236 = arith.constant 2 : i32
    %jit3A_237 = arith.constant 4 : i32
    %eq3A_238 = arith.constant 0 : i32
    %eq3A_239 = arith.cmpi eq, %jit3A_237, %eq3A_238 : i32
    %jit3A_240 = arith.constant 1 : i32
    %select_n3A_241 = arith.select %eq3A_239, %jit3A_240, %jit3A_237 : i32
    %rem3A_242 = arith.remsi %jit3A_236, %select_n3A_241 : i32
    %ne3A_243 = arith.constant 0 : i32
    %ne3A_244 = arith.cmpi ne, %rem3A_242, %ne3A_243 : i32
    %lt3A_245 = arith.constant 0 : i32
    %lt3A_246 = arith.cmpi slt, %rem3A_242, %lt3A_245 : i32
    %lt3A_247 = arith.constant 0 : i32
    %lt3A_248 = arith.cmpi slt, %select_n3A_241, %lt3A_247 : i32
    %ne3A_249 = arith.xori %lt3A_246, %lt3A_248 : i1
    %and3A_250 = arith.andi %ne3A_249, %ne3A_244 : i1
    %add3A_251 = arith.addi %rem3A_242, %select_n3A_241 : i32
    %select_n3A_252 = arith.select %and3A_250, %add3A_251, %rem3A_242 : i32
    %mul3A_253 = arith.constant 128 : i32
    %mul3A_254 = arith.muli %select_n3A_252, %mul3A_253 : i32
    %dma_start3A_255 = tpu.memref_slice %arg5[%select_n3A_235, %mul3A_254] : memref<50x512xi32, #tpu.memory_space<vmem>> -> memref<1x128xi32, #tpu.memory_space<vmem>>
    %dma_start3A_256 = tpu.memref_squeeze %dma_start3A_255 : memref<1x128xi32, #tpu.memory_space<vmem>> -> memref<128xi32, #tpu.memory_space<vmem>>
    %dma_start3A_257 = arith.constant 0 : i32
    %dma_start3A_258 = arith.constant 0 : i32
    %dma_start3A_259 = tpu.memref_slice %arg3[%dma_start3A_257, %dma_start3A_258] : memref<1000000x32xf32, #tpu.memory_space<hbm>> -> memref<1000000x32xf32, #tpu.memory_space<hbm>>
    tpu.enqueue_indirect_dma source(%dma_start3A_259 : memref<1000000x32xf32, #tpu.memory_space<hbm>>) target(%arg8 : memref<128x32xf32, #tpu.memory_space<vmem>>) offsets(%dma_start3A_256 : memref<128xi32, #tpu.memory_space<vmem>>) semaphore(%arg16 : memref<!tpu.dma_semaphore, #tpu.memory_space<semaphore_mem>>)
    %jit3A_260 = arith.constant 3 : i32
    %jit3A_261 = arith.constant 4 : i32
    %div3A_262 = arith.divsi %jit3A_260, %jit3A_261 : i32
    %sign3A_263 = arith.constant 0 : i32
    %sign3A_264 = arith.cmpi sgt, %jit3A_260, %sign3A_263 : i32
    %sign3A_265 = arith.extui %sign3A_264 : i1 to i32
    %sign3A_266 = arith.constant 0 : i32
    %sign3A_267 = arith.cmpi slt, %jit3A_260, %sign3A_266 : i32
    %sign3A_268 = arith.extui %sign3A_267 : i1 to i32
    %sign3A_269 = arith.subi %sign3A_265, %sign3A_268 : i32
    %sign3A_270 = arith.constant 0 : i32
    %sign3A_271 = arith.cmpi sgt, %jit3A_261, %sign3A_270 : i32
    %sign3A_272 = arith.extui %sign3A_271 : i1 to i32
    %sign3A_273 = arith.constant 0 : i32
    %sign3A_274 = arith.cmpi slt, %jit3A_261, %sign3A_273 : i32
    %sign3A_275 = arith.extui %sign3A_274 : i1 to i32
    %sign3A_276 = arith.subi %sign3A_272, %sign3A_275 : i32
    %ne3A_277 = arith.cmpi ne, %sign3A_269, %sign3A_276 : i32
    %rem3A_278 = arith.remsi %jit3A_260, %jit3A_261 : i32
    %ne3A_279 = arith.constant 0 : i32
    %ne3A_280 = arith.cmpi ne, %rem3A_278, %ne3A_279 : i32
    %and3A_281 = arith.andi %ne3A_277, %ne3A_280 : i1
    %sub3A_282 = arith.constant 1 : i32
    %sub3A_283 = arith.subi %div3A_262, %sub3A_282 : i32
    %select_n3A_284 = arith.select %and3A_281, %sub3A_283, %div3A_262 : i32
    %jit3A_285 = arith.constant 3 : i32
    %jit3A_286 = arith.constant 4 : i32
    %eq3A_287 = arith.constant 0 : i32
    %eq3A_288 = arith.cmpi eq, %jit3A_286, %eq3A_287 : i32
    %jit3A_289 = arith.constant 1 : i32
    %select_n3A_290 = arith.select %eq3A_288, %jit3A_289, %jit3A_286 : i32
    %rem3A_291 = arith.remsi %jit3A_285, %select_n3A_290 : i32
    %ne3A_292 = arith.constant 0 : i32
    %ne3A_293 = arith.cmpi ne, %rem3A_291, %ne3A_292 : i32
    %lt3A_294 = arith.constant 0 : i32
    %lt3A_295 = arith.cmpi slt, %rem3A_291, %lt3A_294 : i32
    %lt3A_296 = arith.constant 0 : i32
    %lt3A_297 = arith.cmpi slt, %select_n3A_290, %lt3A_296 : i32
    %ne3A_298 = arith.xori %lt3A_295, %lt3A_297 : i1
    %and3A_299 = arith.andi %ne3A_298, %ne3A_293 : i1
    %add3A_300 = arith.addi %rem3A_291, %select_n3A_290 : i32
    %select_n3A_301 = arith.select %and3A_299, %add3A_300, %rem3A_291 : i32
    %mul3A_302 = arith.constant 128 : i32
    %mul3A_303 = arith.muli %select_n3A_301, %mul3A_302 : i32
    %dma_start3A_304 = tpu.memref_slice %arg5[%select_n3A_284, %mul3A_303] : memref<50x512xi32, #tpu.memory_space<vmem>> -> memref<1x128xi32, #tpu.memory_space<vmem>>
    %dma_start3A_305 = tpu.memref_squeeze %dma_start3A_304 : memref<1x128xi32, #tpu.memory_space<vmem>> -> memref<128xi32, #tpu.memory_space<vmem>>
    %dma_start3A_306 = arith.constant 0 : i32
    %dma_start3A_307 = arith.constant 0 : i32
    %dma_start3A_308 = tpu.memref_slice %arg3[%dma_start3A_306, %dma_start3A_307] : memref<1000000x32xf32, #tpu.memory_space<hbm>> -> memref<1000000x32xf32, #tpu.memory_space<hbm>>
    tpu.enqueue_indirect_dma source(%dma_start3A_308 : memref<1000000x32xf32, #tpu.memory_space<hbm>>) target(%arg9 : memref<128x32xf32, #tpu.memory_space<vmem>>) offsets(%dma_start3A_305 : memref<128xi32, #tpu.memory_space<vmem>>) semaphore(%arg17 : memref<!tpu.dma_semaphore, #tpu.memory_space<semaphore_mem>>)
    %scan3A = arith.constant 0 : i32
    %scan3A_309 = arith.constant 50 : i32
    %scan3A_310 = arith.addi %scan3A, %scan3A_309 : i32
    %scan3A_311 = arith.constant 1 : i32
    scf.for %scan3A_516 = %scan3A to %scan3A_310 step %scan3A_311  : i32 {
      %mul3A_517 = arith.constant 4 : i32
      %mul3A_518 = arith.muli %scan3A_516, %mul3A_517 : i32
      %add3A_519 = arith.constant 0 : i32
      %add3A_520 = arith.addi %add3A_519, %mul3A_518 : i32
      %add3A_521 = arith.constant 0 : i32
      %add3A_522 = arith.addi %add3A_520, %add3A_521 : i32
      %jit3A_523 = arith.constant 4 : i32
      %div3A_524 = arith.divsi %add3A_522, %jit3A_523 : i32
      %sign3A_525 = arith.constant 0 : i32
      %sign3A_526 = arith.cmpi sgt, %add3A_522, %sign3A_525 : i32
      %sign3A_527 = arith.extui %sign3A_526 : i1 to i32
      %sign3A_528 = arith.constant 0 : i32
      %sign3A_529 = arith.cmpi slt, %add3A_522, %sign3A_528 : i32
      %sign3A_530 = arith.extui %sign3A_529 : i1 to i32
      %sign3A_531 = arith.subi %sign3A_527, %sign3A_530 : i32
      %sign3A_532 = arith.constant 0 : i32
      %sign3A_533 = arith.cmpi sgt, %jit3A_523, %sign3A_532 : i32
      %sign3A_534 = arith.extui %sign3A_533 : i1 to i32
      %sign3A_535 = arith.constant 0 : i32
      %sign3A_536 = arith.cmpi slt, %jit3A_523, %sign3A_535 : i32
      %sign3A_537 = arith.extui %sign3A_536 : i1 to i32
      %sign3A_538 = arith.subi %sign3A_534, %sign3A_537 : i32
      %ne3A_539 = arith.cmpi ne, %sign3A_531, %sign3A_538 : i32
      %rem3A_540 = arith.remsi %add3A_522, %jit3A_523 : i32
      %ne3A_541 = arith.constant 0 : i32
      %ne3A_542 = arith.cmpi ne, %rem3A_540, %ne3A_541 : i32
      %and3A_543 = arith.andi %ne3A_539, %ne3A_542 : i1
      %sub3A_544 = arith.constant 1 : i32
      %sub3A_545 = arith.subi %div3A_524, %sub3A_544 : i32
      %select_n3A_546 = arith.select %and3A_543, %sub3A_545, %div3A_524 : i32
      %jit3A_547 = arith.constant 4 : i32
      %eq3A_548 = arith.constant 0 : i32
      %eq3A_549 = arith.cmpi eq, %jit3A_547, %eq3A_548 : i32
      %jit3A_550 = arith.constant 1 : i32
      %select_n3A_551 = arith.select %eq3A_549, %jit3A_550, %jit3A_547 : i32
      %rem3A_552 = arith.remsi %add3A_522, %select_n3A_551 : i32
      %ne3A_553 = arith.constant 0 : i32
      %ne3A_554 = arith.cmpi ne, %rem3A_552, %ne3A_553 : i32
      %lt3A_555 = arith.constant 0 : i32
      %lt3A_556 = arith.cmpi slt, %rem3A_552, %lt3A_555 : i32
      %lt3A_557 = arith.constant 0 : i32
      %lt3A_558 = arith.cmpi slt, %select_n3A_551, %lt3A_557 : i32
      %ne3A_559 = arith.xori %lt3A_556, %lt3A_558 : i1
      %and3A_560 = arith.andi %ne3A_559, %ne3A_554 : i1
      %add3A_561 = arith.addi %rem3A_552, %select_n3A_551 : i32
      %select_n3A_562 = arith.select %and3A_560, %add3A_561, %rem3A_552 : i32
      %mul3A_563 = arith.constant 128 : i32
      %mul3A_564 = arith.muli %select_n3A_562, %mul3A_563 : i32
      %dma_wait3A_565 = tpu.memref_slice %arg5[%select_n3A_546, %mul3A_564] : memref<50x512xi32, #tpu.memory_space<vmem>> -> memref<1x128xi32, #tpu.memory_space<vmem>>
      %dma_wait3A_566 = tpu.memref_squeeze %dma_wait3A_565 : memref<1x128xi32, #tpu.memory_space<vmem>> -> memref<128xi32, #tpu.memory_space<vmem>>
      %dma_wait3A_567 = arith.constant 0 : i32
      %dma_wait3A_568 = arith.constant 0 : i32
      %dma_wait3A_569 = tpu.memref_slice %arg3[%dma_wait3A_567, %dma_wait3A_568] : memref<1000000x32xf32, #tpu.memory_space<hbm>> -> memref<1000000x32xf32, #tpu.memory_space<hbm>>
      tpu.wait_indirect_dma semaphore(%arg14 : memref<!tpu.dma_semaphore, #tpu.memory_space<semaphore_mem>>) src(%dma_wait3A_569 : memref<1000000x32xf32, #tpu.memory_space<hbm>>) dst(%arg6 : memref<128x32xf32, #tpu.memory_space<vmem>>)
      %ge3A = arith.constant 4 : i32
      %ge3A_570 = arith.cmpi sge, %add3A_522, %ge3A : i32
      %convert_element_type3A = arith.extui %ge3A_570 : i1 to i32
      %cond3A = arith.constant 0 : i32
      %cond3A_571 = arith.cmpi ne, %convert_element_type3A, %cond3A : i32
      scf.if %cond3A_571 {
        %sub3A_969 = arith.constant 4 : i32
        %sub3A_970 = arith.subi %add3A_522, %sub3A_969 : i32
        %jit3A_971 = arith.constant 4 : i32
        %div3A_972 = arith.divsi %sub3A_970, %jit3A_971 : i32
        %sign3A_973 = arith.constant 0 : i32
        %sign3A_974 = arith.cmpi sgt, %sub3A_970, %sign3A_973 : i32
        %sign3A_975 = arith.extui %sign3A_974 : i1 to i32
        %sign3A_976 = arith.constant 0 : i32
        %sign3A_977 = arith.cmpi slt, %sub3A_970, %sign3A_976 : i32
        %sign3A_978 = arith.extui %sign3A_977 : i1 to i32
        %sign3A_979 = arith.subi %sign3A_975, %sign3A_978 : i32
        %sign3A_980 = arith.constant 0 : i32
        %sign3A_981 = arith.cmpi sgt, %jit3A_971, %sign3A_980 : i32
        %sign3A_982 = arith.extui %sign3A_981 : i1 to i32
        %sign3A_983 = arith.constant 0 : i32
        %sign3A_984 = arith.cmpi slt, %jit3A_971, %sign3A_983 : i32
        %sign3A_985 = arith.extui %sign3A_984 : i1 to i32
        %sign3A_986 = arith.subi %sign3A_982, %sign3A_985 : i32
        %ne3A_987 = arith.cmpi ne, %sign3A_979, %sign3A_986 : i32
        %rem3A_988 = arith.remsi %sub3A_970, %jit3A_971 : i32
        %ne3A_989 = arith.constant 0 : i32
        %ne3A_990 = arith.cmpi ne, %rem3A_988, %ne3A_989 : i32
        %and3A_991 = arith.andi %ne3A_987, %ne3A_990 : i1
        %sub3A_992 = arith.constant 1 : i32
        %sub3A_993 = arith.subi %div3A_972, %sub3A_992 : i32
        %select_n3A_994 = arith.select %and3A_991, %sub3A_993, %div3A_972 : i32
        %jit3A_995 = arith.constant 4 : i32
        %eq3A_996 = arith.constant 0 : i32
        %eq3A_997 = arith.cmpi eq, %jit3A_995, %eq3A_996 : i32
        %jit3A_998 = arith.constant 1 : i32
        %select_n3A_999 = arith.select %eq3A_997, %jit3A_998, %jit3A_995 : i32
        %rem3A_1000 = arith.remsi %sub3A_970, %select_n3A_999 : i32
        %ne3A_1001 = arith.constant 0 : i32
        %ne3A_1002 = arith.cmpi ne, %rem3A_1000, %ne3A_1001 : i32
        %lt3A_1003 = arith.constant 0 : i32
        %lt3A_1004 = arith.cmpi slt, %rem3A_1000, %lt3A_1003 : i32
        %lt3A_1005 = arith.constant 0 : i32
        %lt3A_1006 = arith.cmpi slt, %select_n3A_999, %lt3A_1005 : i32
        %ne3A_1007 = arith.xori %lt3A_1004, %lt3A_1006 : i1
        %and3A_1008 = arith.andi %ne3A_1007, %ne3A_1002 : i1
        %add3A_1009 = arith.addi %rem3A_1000, %select_n3A_999 : i32
        %select_n3A_1010 = arith.select %and3A_1008, %add3A_1009, %rem3A_1000 : i32
        %add3A_1011 = arith.addi %mul3A_2, %select_n3A_1010 : i32
        %dma_wait3A_1012 = arith.constant 0 : i32
        %dma_wait3A_1013 = arith.constant 0 : i32
        %dma_wait3A_1014 = tpu.memref_slice %arg4[%select_n3A_994, %dma_wait3A_1012, %add3A_1011, %dma_wait3A_1013] : memref<50x4x128x1024xf32, #tpu.memory_space<hbm>> -> memref<1x4x1x1024xf32, #tpu.memory_space<hbm>>
        %dma_wait3A_1015 = tpu.memref_squeeze %dma_wait3A_1014 : memref<1x4x1x1024xf32, #tpu.memory_space<hbm>> -> memref<4x1024xf32, #tpu.memory_space<hbm>>
        %dma_wait3A_1016 = arith.constant 0 : i32
        %dma_wait3A_1017 = arith.constant 0 : i32
        %dma_wait3A_1018 = tpu.memref_slice %arg4[%select_n3A_994, %dma_wait3A_1016, %add3A_1011, %dma_wait3A_1017] : memref<50x4x128x1024xf32, #tpu.memory_space<hbm>> -> memref<1x4x1x1024xf32, #tpu.memory_space<hbm>>
        %dma_wait3A_1019 = tpu.memref_squeeze %dma_wait3A_1018 : memref<1x4x1x1024xf32, #tpu.memory_space<hbm>> -> memref<4x1024xf32, #tpu.memory_space<hbm>>
        tpu.wait_dma2 semaphore(%arg18 : memref<!tpu.dma_semaphore, #tpu.memory_space<semaphore_mem>>) src(%arg10 : memref<4x1024xf32, #tpu.memory_space<vmem>>) dst(%dma_wait3A_1019 : memref<4x1024xf32, #tpu.memory_space<hbm>>)
      } else {
      }
      %parallel_loop3A = arith.constant 0 : i32
      %parallel_loop3A_572 = arith.constant 128 : i32
      %parallel_loop3A_573 = arith.constant 1 : i32
      scf.for %parallel_loop3A_969 = %parallel_loop3A to %parallel_loop3A_572 step %parallel_loop3A_573  : i32 {
        %parallel_loop3A_970 = arith.index_cast %parallel_loop3A_969 : i32 to index
        %parallel_loop3A_971 = arith.constant 0 : index
        %parallel_loop3A_972 = tpu.vector_load %arg6[%parallel_loop3A_970, %parallel_loop3A_971] {strides = array<i32>} : memref<128x32xf32, #tpu.memory_space<vmem>>, vector<16xf32>,
        %parallel_loop3A_973 = vector.broadcast %parallel_loop3A_969 : i32 to vector<16xi32>
        %parallel_loop3A_974 = arith.addi %mul3A_88, %parallel_loop3A_973 : vector<16xi32>
        tpu.vector_store_idx %arg10[%select_n3A, %parallel_loop3A_974], %parallel_loop3A_972 : memref<4x1024xf32, #tpu.memory_space<vmem>>[vector<16xi32>, vector<16xi32>], vector<16xf32>,
        %parallel_loop3A_975 = arith.index_cast %parallel_loop3A_969 : i32 to index
        %parallel_loop3A_976 = arith.constant 16 : index
        %parallel_loop3A_977 = tpu.vector_load %arg6[%parallel_loop3A_975, %parallel_loop3A_976] {strides = array<i32>} : memref<128x32xf32, #tpu.memory_space<vmem>>, vector<16xf32>,
        %parallel_loop3A_978 = vector.broadcast %parallel_loop3A_969 : i32 to vector<16xi32>
        %parallel_loop3A_979 = arith.addi %mul3A_113, %parallel_loop3A_978 : vector<16xi32>
        tpu.vector_store_idx %arg10[%select_n3A_65, %parallel_loop3A_979], %parallel_loop3A_977 : memref<4x1024xf32, #tpu.memory_space<vmem>>[vector<16xi32>, vector<16xi32>], vector<16xf32>,
      } {sc.loop_unroll_factor = 8 : i64, sc.parallel_access}
      %jit3A_574 = arith.constant 4 : i32
      %div3A_575 = arith.divsi %add3A_522, %jit3A_574 : i32
      %sign3A_576 = arith.constant 0 : i32
      %sign3A_577 = arith.cmpi sgt, %add3A_522, %sign3A_576 : i32
      %sign3A_578 = arith.extui %sign3A_577 : i1 to i32
      %sign3A_579 = arith.constant 0 : i32
      %sign3A_580 = arith.cmpi slt, %add3A_522, %sign3A_579 : i32
      %sign3A_581 = arith.extui %sign3A_580 : i1 to i32
      %sign3A_582 = arith.subi %sign3A_578, %sign3A_581 : i32
      %sign3A_583 = arith.constant 0 : i32
      %sign3A_584 = arith.cmpi sgt, %jit3A_574, %sign3A_583 : i32
      %sign3A_585 = arith.extui %sign3A_584 : i1 to i32
      %sign3A_586 = arith.constant 0 : i32
      %sign3A_587 = arith.cmpi slt, %jit3A_574, %sign3A_586 : i32
      %sign3A_588 = arith.extui %sign3A_587 : i1 to i32
      %sign3A_589 = arith.subi %sign3A_585, %sign3A_588 : i32
      %ne3A_590 = arith.cmpi ne, %sign3A_582, %sign3A_589 : i32
      %rem3A_591 = arith.remsi %add3A_522, %jit3A_574 : i32
      %ne3A_592 = arith.constant 0 : i32
      %ne3A_593 = arith.cmpi ne, %rem3A_591, %ne3A_592 : i32
      %and3A_594 = arith.andi %ne3A_590, %ne3A_593 : i1
      %sub3A_595 = arith.constant 1 : i32
      %sub3A_596 = arith.subi %div3A_575, %sub3A_595 : i32
      %select_n3A_597 = arith.select %and3A_594, %sub3A_596, %div3A_575 : i32
      %jit3A_598 = arith.constant 4 : i32
      %eq3A_599 = arith.constant 0 : i32
      %eq3A_600 = arith.cmpi eq, %jit3A_598, %eq3A_599 : i32
      %jit3A_601 = arith.constant 1 : i32
      %select_n3A_602 = arith.select %eq3A_600, %jit3A_601, %jit3A_598 : i32
      %rem3A_603 = arith.remsi %add3A_522, %select_n3A_602 : i32
      %ne3A_604 = arith.constant 0 : i32
      %ne3A_605 = arith.cmpi ne, %rem3A_603, %ne3A_604 : i32
      %lt3A_606 = arith.constant 0 : i32
      %lt3A_607 = arith.cmpi slt, %rem3A_603, %lt3A_606 : i32
      %lt3A_608 = arith.constant 0 : i32
      %lt3A_609 = arith.cmpi slt, %select_n3A_602, %lt3A_608 : i32
      %ne3A_610 = arith.xori %lt3A_607, %lt3A_609 : i1
      %and3A_611 = arith.andi %ne3A_610, %ne3A_605 : i1
      %add3A_612 = arith.addi %rem3A_603, %select_n3A_602 : i32
      %select_n3A_613 = arith.select %and3A_611, %add3A_612, %rem3A_603 : i32
      %add3A_614 = arith.addi %mul3A_2, %select_n3A_613 : i32
      %dma_start3A_615 = arith.constant 0 : i32
      %dma_start3A_616 = arith.constant 0 : i32
      %dma_start3A_617 = tpu.memref_slice %arg4[%select_n3A_597, %dma_start3A_615, %add3A_614, %dma_start3A_616] : memref<50x4x128x1024xf32, #tpu.memory_space<hbm>> -> memref<1x4x1x1024xf32, #tpu.memory_space<hbm>>
      %dma_start3A_618 = tpu.memref_squeeze %dma_start3A_617 : memref<1x4x1x1024xf32, #tpu.memory_space<hbm>> -> memref<4x1024xf32, #tpu.memory_space<hbm>>
      %dma_start3A_619 = arith.constant 0 : i32
      %dma_start3A_620 = arith.constant 0 : i32
      %dma_start3A_621 = tpu.memref_slice %arg4[%select_n3A_597, %dma_start3A_619, %add3A_614, %dma_start3A_620] : memref<50x4x128x1024xf32, #tpu.memory_space<hbm>> -> memref<1x4x1x1024xf32, #tpu.memory_space<hbm>>
      %dma_start3A_622 = tpu.memref_squeeze %dma_start3A_621 : memref<1x4x1x1024xf32, #tpu.memory_space<hbm>> -> memref<4x1024xf32, #tpu.memory_space<hbm>>
      tpu.enqueue_dma source(%arg10 : memref<4x1024xf32, #tpu.memory_space<vmem>>) target(%dma_start3A_622 : memref<4x1024xf32, #tpu.memory_space<hbm>>) target_semaphore(%arg18 : memref<!tpu.dma_semaphore, #tpu.memory_space<semaphore_mem>>)
      %add3A_623 = arith.constant 4 : i32
      %add3A_624 = arith.addi %add3A_522, %add3A_623 : i32
      %lt3A_625 = arith.constant 200 : i32
      %lt3A_626 = arith.cmpi slt, %add3A_624, %lt3A_625 : i32
      %convert_element_type3A_627 = arith.extui %lt3A_626 : i1 to i32
      %cond3A_628 = arith.constant 0 : i32
      %cond3A_629 = arith.cmpi ne, %convert_element_type3A_627, %cond3A_628 : i32
      scf.if %cond3A_629 {
        %add3A_969 = arith.constant 4 : i32
        %add3A_970 = arith.addi %add3A_522, %add3A_969 : i32
        %jit3A_971 = arith.constant 4 : i32
        %div3A_972 = arith.divsi %add3A_970, %jit3A_971 : i32
        %sign3A_973 = arith.constant 0 : i32
        %sign3A_974 = arith.cmpi sgt, %add3A_970, %sign3A_973 : i32
        %sign3A_975 = arith.extui %sign3A_974 : i1 to i32
        %sign3A_976 = arith.constant 0 : i32
        %sign3A_977 = arith.cmpi slt, %add3A_970, %sign3A_976 : i32
        %sign3A_978 = arith.extui %sign3A_977 : i1 to i32
        %sign3A_979 = arith.subi %sign3A_975, %sign3A_978 : i32
        %sign3A_980 = arith.constant 0 : i32
        %sign3A_981 = arith.cmpi sgt, %jit3A_971, %sign3A_980 : i32
        %sign3A_982 = arith.extui %sign3A_981 : i1 to i32
        %sign3A_983 = arith.constant 0 : i32
        %sign3A_984 = arith.cmpi slt, %jit3A_971, %sign3A_983 : i32
        %sign3A_985 = arith.extui %sign3A_984 : i1 to i32
        %sign3A_986 = arith.subi %sign3A_982, %sign3A_985 : i32
        %ne3A_987 = arith.cmpi ne, %sign3A_979, %sign3A_986 : i32
        %rem3A_988 = arith.remsi %add3A_970, %jit3A_971 : i32
        %ne3A_989 = arith.constant 0 : i32
        %ne3A_990 = arith.cmpi ne, %rem3A_988, %ne3A_989 : i32
        %and3A_991 = arith.andi %ne3A_987, %ne3A_990 : i1
        %sub3A_992 = arith.constant 1 : i32
        %sub3A_993 = arith.subi %div3A_972, %sub3A_992 : i32
        %select_n3A_994 = arith.select %and3A_991, %sub3A_993, %div3A_972 : i32
        %jit3A_995 = arith.constant 4 : i32
        %eq3A_996 = arith.constant 0 : i32
        %eq3A_997 = arith.cmpi eq, %jit3A_995, %eq3A_996 : i32
        %jit3A_998 = arith.constant 1 : i32
        %select_n3A_999 = arith.select %eq3A_997, %jit3A_998, %jit3A_995 : i32
        %rem3A_1000 = arith.remsi %add3A_970, %select_n3A_999 : i32
        %ne3A_1001 = arith.constant 0 : i32
        %ne3A_1002 = arith.cmpi ne, %rem3A_1000, %ne3A_1001 : i32
        %lt3A_1003 = arith.constant 0 : i32
        %lt3A_1004 = arith.cmpi slt, %rem3A_1000, %lt3A_1003 : i32
        %lt3A_1005 = arith.constant 0 : i32
        %lt3A_1006 = arith.cmpi slt, %select_n3A_999, %lt3A_1005 : i32
        %ne3A_1007 = arith.xori %lt3A_1004, %lt3A_1006 : i1
        %and3A_1008 = arith.andi %ne3A_1007, %ne3A_1002 : i1
        %add3A_1009 = arith.addi %rem3A_1000, %select_n3A_999 : i32
        %select_n3A_1010 = arith.select %and3A_1008, %add3A_1009, %rem3A_1000 : i32
        %mul3A_1011 = arith.constant 128 : i32
        %mul3A_1012 = arith.muli %select_n3A_1010, %mul3A_1011 : i32
        %dma_start3A_1013 = tpu.memref_slice %arg5[%select_n3A_994, %mul3A_1012] : memref<50x512xi32, #tpu.memory_space<vmem>> -> memref<1x128xi32, #tpu.memory_space<vmem>>
        %dma_start3A_1014 = tpu.memref_squeeze %dma_start3A_1013 : memref<1x128xi32, #tpu.memory_space<vmem>> -> memref<128xi32, #tpu.memory_space<vmem>>
        %dma_start3A_1015 = arith.constant 0 : i32
        %dma_start3A_1016 = arith.constant 0 : i32
        %dma_start3A_1017 = tpu.memref_slice %arg3[%dma_start3A_1015, %dma_start3A_1016] : memref<1000000x32xf32, #tpu.memory_space<hbm>> -> memref<1000000x32xf32, #tpu.memory_space<hbm>>
        tpu.enqueue_indirect_dma source(%dma_start3A_1017 : memref<1000000x32xf32, #tpu.memory_space<hbm>>) target(%arg6 : memref<128x32xf32, #tpu.memory_space<vmem>>) offsets(%dma_start3A_1014 : memref<128xi32, #tpu.memory_space<vmem>>) semaphore(%arg14 : memref<!tpu.dma_semaphore, #tpu.memory_space<semaphore_mem>>)
      } else {
      }
      %add3A_630 = arith.constant 1 : i32
      %add3A_631 = arith.addi %add3A_520, %add3A_630 : i32
      %jit3A_632 = arith.constant 4 : i32
      %div3A_633 = arith.divsi %add3A_631, %jit3A_632 : i32
      %sign3A_634 = arith.constant 0 : i32
      %sign3A_635 = arith.cmpi sgt, %add3A_631, %sign3A_634 : i32
      %sign3A_636 = arith.extui %sign3A_635 : i1 to i32
      %sign3A_637 = arith.constant 0 : i32
      %sign3A_638 = arith.cmpi slt, %add3A_631, %sign3A_637 : i32
      %sign3A_639 = arith.extui %sign3A_638 : i1 to i32
      %sign3A_640 = arith.subi %sign3A_636, %sign3A_639 : i32
      %sign3A_641 = arith.constant 0 : i32
      %sign3A_642 = arith.cmpi sgt, %jit3A_632, %sign3A_641 : i32
      %sign3A_643 = arith.extui %sign3A_642 : i1 to i32
      %sign3A_644 = arith.constant 0 : i32
      %sign3A_645 = arith.cmpi slt, %jit3A_632, %sign3A_644 : i32
      %sign3A_646 = arith.extui %sign3A_645 : i1 to i32
      %sign3A_647 = arith.subi %sign3A_643, %sign3A_646 : i32
      %ne3A_648 = arith.cmpi ne, %sign3A_640, %sign3A_647 : i32
      %rem3A_649 = arith.remsi %add3A_631, %jit3A_632 : i32
      %ne3A_650 = arith.constant 0 : i32
      %ne3A_651 = arith.cmpi ne, %rem3A_649, %ne3A_650 : i32
      %and3A_652 = arith.andi %ne3A_648, %ne3A_651 : i1
      %sub3A_653 = arith.constant 1 : i32
      %sub3A_654 = arith.subi %div3A_633, %sub3A_653 : i32
      %select_n3A_655 = arith.select %and3A_652, %sub3A_654, %div3A_633 : i32
      %jit3A_656 = arith.constant 4 : i32
      %eq3A_657 = arith.constant 0 : i32
      %eq3A_658 = arith.cmpi eq, %jit3A_656, %eq3A_657 : i32
      %jit3A_659 = arith.constant 1 : i32
      %select_n3A_660 = arith.select %eq3A_658, %jit3A_659, %jit3A_656 : i32
      %rem3A_661 = arith.remsi %add3A_631, %select_n3A_660 : i32
      %ne3A_662 = arith.constant 0 : i32
      %ne3A_663 = arith.cmpi ne, %rem3A_661, %ne3A_662 : i32
      %lt3A_664 = arith.constant 0 : i32
      %lt3A_665 = arith.cmpi slt, %rem3A_661, %lt3A_664 : i32
      %lt3A_666 = arith.constant 0 : i32
      %lt3A_667 = arith.cmpi slt, %select_n3A_660, %lt3A_666 : i32
      %ne3A_668 = arith.xori %lt3A_665, %lt3A_667 : i1
      %and3A_669 = arith.andi %ne3A_668, %ne3A_663 : i1
      %add3A_670 = arith.addi %rem3A_661, %select_n3A_660 : i32
      %select_n3A_671 = arith.select %and3A_669, %add3A_670, %rem3A_661 : i32
      %mul3A_672 = arith.constant 128 : i32
      %mul3A_673 = arith.muli %select_n3A_671, %mul3A_672 : i32
      %dma_wait3A_674 = tpu.memref_slice %arg5[%select_n3A_655, %mul3A_673] : memref<50x512xi32, #tpu.memory_space<vmem>> -> memref<1x128xi32, #tpu.memory_space<vmem>>
      %dma_wait3A_675 = tpu.memref_squeeze %dma_wait3A_674 : memref<1x128xi32, #tpu.memory_space<vmem>> -> memref<128xi32, #tpu.memory_space<vmem>>
      %dma_wait3A_676 = arith.constant 0 : i32
      %dma_wait3A_677 = arith.constant 0 : i32
      %dma_wait3A_678 = tpu.memref_slice %arg3[%dma_wait3A_676, %dma_wait3A_677] : memref<1000000x32xf32, #tpu.memory_space<hbm>> -> memref<1000000x32xf32, #tpu.memory_space<hbm>>
      tpu.wait_indirect_dma semaphore(%arg15 : memref<!tpu.dma_semaphore, #tpu.memory_space<semaphore_mem>>) src(%dma_wait3A_678 : memref<1000000x32xf32, #tpu.memory_space<hbm>>) dst(%arg7 : memref<128x32xf32, #tpu.memory_space<vmem>>)
      %ge3A_679 = arith.constant 4 : i32
      %ge3A_680 = arith.cmpi sge, %add3A_631, %ge3A_679 : i32
      %convert_element_type3A_681 = arith.extui %ge3A_680 : i1 to i32
      %cond3A_682 = arith.constant 0 : i32
      %cond3A_683 = arith.cmpi ne, %convert_element_type3A_681, %cond3A_682 : i32
      scf.if %cond3A_683 {
        %sub3A_969 = arith.constant 4 : i32
        %sub3A_970 = arith.subi %add3A_631, %sub3A_969 : i32
        %jit3A_971 = arith.constant 4 : i32
        %div3A_972 = arith.divsi %sub3A_970, %jit3A_971 : i32
        %sign3A_973 = arith.constant 0 : i32
        %sign3A_974 = arith.cmpi sgt, %sub3A_970, %sign3A_973 : i32
        %sign3A_975 = arith.extui %sign3A_974 : i1 to i32
        %sign3A_976 = arith.constant 0 : i32
        %sign3A_977 = arith.cmpi slt, %sub3A_970, %sign3A_976 : i32
        %sign3A_978 = arith.extui %sign3A_977 : i1 to i32
        %sign3A_979 = arith.subi %sign3A_975, %sign3A_978 : i32
        %sign3A_980 = arith.constant 0 : i32
        %sign3A_981 = arith.cmpi sgt, %jit3A_971, %sign3A_980 : i32
        %sign3A_982 = arith.extui %sign3A_981 : i1 to i32
        %sign3A_983 = arith.constant 0 : i32
        %sign3A_984 = arith.cmpi slt, %jit3A_971, %sign3A_983 : i32
        %sign3A_985 = arith.extui %sign3A_984 : i1 to i32
        %sign3A_986 = arith.subi %sign3A_982, %sign3A_985 : i32
        %ne3A_987 = arith.cmpi ne, %sign3A_979, %sign3A_986 : i32
        %rem3A_988 = arith.remsi %sub3A_970, %jit3A_971 : i32
        %ne3A_989 = arith.constant 0 : i32
        %ne3A_990 = arith.cmpi ne, %rem3A_988, %ne3A_989 : i32
        %and3A_991 = arith.andi %ne3A_987, %ne3A_990 : i1
        %sub3A_992 = arith.constant 1 : i32
        %sub3A_993 = arith.subi %div3A_972, %sub3A_992 : i32
        %select_n3A_994 = arith.select %and3A_991, %sub3A_993, %div3A_972 : i32
        %jit3A_995 = arith.constant 4 : i32
        %eq3A_996 = arith.constant 0 : i32
        %eq3A_997 = arith.cmpi eq, %jit3A_995, %eq3A_996 : i32
        %jit3A_998 = arith.constant 1 : i32
        %select_n3A_999 = arith.select %eq3A_997, %jit3A_998, %jit3A_995 : i32
        %rem3A_1000 = arith.remsi %sub3A_970, %select_n3A_999 : i32
        %ne3A_1001 = arith.constant 0 : i32
        %ne3A_1002 = arith.cmpi ne, %rem3A_1000, %ne3A_1001 : i32
        %lt3A_1003 = arith.constant 0 : i32
        %lt3A_1004 = arith.cmpi slt, %rem3A_1000, %lt3A_1003 : i32
        %lt3A_1005 = arith.constant 0 : i32
        %lt3A_1006 = arith.cmpi slt, %select_n3A_999, %lt3A_1005 : i32
        %ne3A_1007 = arith.xori %lt3A_1004, %lt3A_1006 : i1
        %and3A_1008 = arith.andi %ne3A_1007, %ne3A_1002 : i1
        %add3A_1009 = arith.addi %rem3A_1000, %select_n3A_999 : i32
        %select_n3A_1010 = arith.select %and3A_1008, %add3A_1009, %rem3A_1000 : i32
        %add3A_1011 = arith.addi %mul3A_2, %select_n3A_1010 : i32
        %dma_wait3A_1012 = arith.constant 0 : i32
        %dma_wait3A_1013 = arith.constant 0 : i32
        %dma_wait3A_1014 = tpu.memref_slice %arg4[%select_n3A_994, %dma_wait3A_1012, %add3A_1011, %dma_wait3A_1013] : memref<50x4x128x1024xf32, #tpu.memory_space<hbm>> -> memref<1x4x1x1024xf32, #tpu.memory_space<hbm>>
        %dma_wait3A_1015 = tpu.memref_squeeze %dma_wait3A_1014 : memref<1x4x1x1024xf32, #tpu.memory_space<hbm>> -> memref<4x1024xf32, #tpu.memory_space<hbm>>
        %dma_wait3A_1016 = arith.constant 0 : i32
        %dma_wait3A_1017 = arith.constant 0 : i32
        %dma_wait3A_1018 = tpu.memref_slice %arg4[%select_n3A_994, %dma_wait3A_1016, %add3A_1011, %dma_wait3A_1017] : memref<50x4x128x1024xf32, #tpu.memory_space<hbm>> -> memref<1x4x1x1024xf32, #tpu.memory_space<hbm>>
        %dma_wait3A_1019 = tpu.memref_squeeze %dma_wait3A_1018 : memref<1x4x1x1024xf32, #tpu.memory_space<hbm>> -> memref<4x1024xf32, #tpu.memory_space<hbm>>
        tpu.wait_dma2 semaphore(%arg19 : memref<!tpu.dma_semaphore, #tpu.memory_space<semaphore_mem>>) src(%arg11 : memref<4x1024xf32, #tpu.memory_space<vmem>>) dst(%dma_wait3A_1019 : memref<4x1024xf32, #tpu.memory_space<hbm>>)
      } else {
      }
      %parallel_loop3A_684 = arith.constant 0 : i32
      %parallel_loop3A_685 = arith.constant 128 : i32
      %parallel_loop3A_686 = arith.constant 1 : i32
      scf.for %parallel_loop3A_969 = %parallel_loop3A_684 to %parallel_loop3A_685 step %parallel_loop3A_686  : i32 {
        %parallel_loop3A_970 = arith.index_cast %parallel_loop3A_969 : i32 to index
        %parallel_loop3A_971 = arith.constant 0 : index
        %parallel_loop3A_972 = tpu.vector_load %arg7[%parallel_loop3A_970, %parallel_loop3A_971] {strides = array<i32>} : memref<128x32xf32, #tpu.memory_space<vmem>>, vector<16xf32>,
        %parallel_loop3A_973 = vector.broadcast %parallel_loop3A_969 : i32 to vector<16xi32>
        %parallel_loop3A_974 = arith.addi %mul3A_88, %parallel_loop3A_973 : vector<16xi32>
        tpu.vector_store_idx %arg11[%select_n3A, %parallel_loop3A_974], %parallel_loop3A_972 : memref<4x1024xf32, #tpu.memory_space<vmem>>[vector<16xi32>, vector<16xi32>], vector<16xf32>,
        %parallel_loop3A_975 = arith.index_cast %parallel_loop3A_969 : i32 to index
        %parallel_loop3A_976 = arith.constant 16 : index
        %parallel_loop3A_977 = tpu.vector_load %arg7[%parallel_loop3A_975, %parallel_loop3A_976] {strides = array<i32>} : memref<128x32xf32, #tpu.memory_space<vmem>>, vector<16xf32>,
        %parallel_loop3A_978 = vector.broadcast %parallel_loop3A_969 : i32 to vector<16xi32>
        %parallel_loop3A_979 = arith.addi %mul3A_113, %parallel_loop3A_978 : vector<16xi32>
        tpu.vector_store_idx %arg11[%select_n3A_65, %parallel_loop3A_979], %parallel_loop3A_977 : memref<4x1024xf32, #tpu.memory_space<vmem>>[vector<16xi32>, vector<16xi32>], vector<16xf32>,
      } {sc.loop_unroll_factor = 8 : i64, sc.parallel_access}
      %jit3A_687 = arith.constant 4 : i32
      %div3A_688 = arith.divsi %add3A_631, %jit3A_687 : i32
      %sign3A_689 = arith.constant 0 : i32
      %sign3A_690 = arith.cmpi sgt, %add3A_631, %sign3A_689 : i32
      %sign3A_691 = arith.extui %sign3A_690 : i1 to i32
      %sign3A_692 = arith.constant 0 : i32
      %sign3A_693 = arith.cmpi slt, %add3A_631, %sign3A_692 : i32
      %sign3A_694 = arith.extui %sign3A_693 : i1 to i32
      %sign3A_695 = arith.subi %sign3A_691, %sign3A_694 : i32
      %sign3A_696 = arith.constant 0 : i32
      %sign3A_697 = arith.cmpi sgt, %jit3A_687, %sign3A_696 : i32
      %sign3A_698 = arith.extui %sign3A_697 : i1 to i32
      %sign3A_699 = arith.constant 0 : i32
      %sign3A_700 = arith.cmpi slt, %jit3A_687, %sign3A_699 : i32
      %sign3A_701 = arith.extui %sign3A_700 : i1 to i32
      %sign3A_702 = arith.subi %sign3A_698, %sign3A_701 : i32
      %ne3A_703 = arith.cmpi ne, %sign3A_695, %sign3A_702 : i32
      %rem3A_704 = arith.remsi %add3A_631, %jit3A_687 : i32
      %ne3A_705 = arith.constant 0 : i32
      %ne3A_706 = arith.cmpi ne, %rem3A_704, %ne3A_705 : i32
      %and3A_707 = arith.andi %ne3A_703, %ne3A_706 : i1
      %sub3A_708 = arith.constant 1 : i32
      %sub3A_709 = arith.subi %div3A_688, %sub3A_708 : i32
      %select_n3A_710 = arith.select %and3A_707, %sub3A_709, %div3A_688 : i32
      %jit3A_711 = arith.constant 4 : i32
      %eq3A_712 = arith.constant 0 : i32
      %eq3A_713 = arith.cmpi eq, %jit3A_711, %eq3A_712 : i32
      %jit3A_714 = arith.constant 1 : i32
      %select_n3A_715 = arith.select %eq3A_713, %jit3A_714, %jit3A_711 : i32
      %rem3A_716 = arith.remsi %add3A_631, %select_n3A_715 : i32
      %ne3A_717 = arith.constant 0 : i32
      %ne3A_718 = arith.cmpi ne, %rem3A_716, %ne3A_717 : i32
      %lt3A_719 = arith.constant 0 : i32
      %lt3A_720 = arith.cmpi slt, %rem3A_716, %lt3A_719 : i32
      %lt3A_721 = arith.constant 0 : i32
      %lt3A_722 = arith.cmpi slt, %select_n3A_715, %lt3A_721 : i32
      %ne3A_723 = arith.xori %lt3A_720, %lt3A_722 : i1
      %and3A_724 = arith.andi %ne3A_723, %ne3A_718 : i1
      %add3A_725 = arith.addi %rem3A_716, %select_n3A_715 : i32
      %select_n3A_726 = arith.select %and3A_724, %add3A_725, %rem3A_716 : i32
      %add3A_727 = arith.addi %mul3A_2, %select_n3A_726 : i32
      %dma_start3A_728 = arith.constant 0 : i32
      %dma_start3A_729 = arith.constant 0 : i32
      %dma_start3A_730 = tpu.memref_slice %arg4[%select_n3A_710, %dma_start3A_728, %add3A_727, %dma_start3A_729] : memref<50x4x128x1024xf32, #tpu.memory_space<hbm>> -> memref<1x4x1x1024xf32, #tpu.memory_space<hbm>>
      %dma_start3A_731 = tpu.memref_squeeze %dma_start3A_730 : memref<1x4x1x1024xf32, #tpu.memory_space<hbm>> -> memref<4x1024xf32, #tpu.memory_space<hbm>>
      %dma_start3A_732 = arith.constant 0 : i32
      %dma_start3A_733 = arith.constant 0 : i32
      %dma_start3A_734 = tpu.memref_slice %arg4[%select_n3A_710, %dma_start3A_732, %add3A_727, %dma_start3A_733] : memref<50x4x128x1024xf32, #tpu.memory_space<hbm>> -> memref<1x4x1x1024xf32, #tpu.memory_space<hbm>>
      %dma_start3A_735 = tpu.memref_squeeze %dma_start3A_734 : memref<1x4x1x1024xf32, #tpu.memory_space<hbm>> -> memref<4x1024xf32, #tpu.memory_space<hbm>>
      tpu.enqueue_dma source(%arg11 : memref<4x1024xf32, #tpu.memory_space<vmem>>) target(%dma_start3A_735 : memref<4x1024xf32, #tpu.memory_space<hbm>>) target_semaphore(%arg19 : memref<!tpu.dma_semaphore, #tpu.memory_space<semaphore_mem>>)
      %add3A_736 = arith.constant 4 : i32
      %add3A_737 = arith.addi %add3A_631, %add3A_736 : i32
      %lt3A_738 = arith.constant 200 : i32
      %lt3A_739 = arith.cmpi slt, %add3A_737, %lt3A_738 : i32
      %convert_element_type3A_740 = arith.extui %lt3A_739 : i1 to i32
      %cond3A_741 = arith.constant 0 : i32
      %cond3A_742 = arith.cmpi ne, %convert_element_type3A_740, %cond3A_741 : i32
      scf.if %cond3A_742 {
        %add3A_969 = arith.constant 4 : i32
        %add3A_970 = arith.addi %add3A_631, %add3A_969 : i32
        %jit3A_971 = arith.constant 4 : i32
        %div3A_972 = arith.divsi %add3A_970, %jit3A_971 : i32
        %sign3A_973 = arith.constant 0 : i32
        %sign3A_974 = arith.cmpi sgt, %add3A_970, %sign3A_973 : i32
        %sign3A_975 = arith.extui %sign3A_974 : i1 to i32
        %sign3A_976 = arith.constant 0 : i32
        %sign3A_977 = arith.cmpi slt, %add3A_970, %sign3A_976 : i32
        %sign3A_978 = arith.extui %sign3A_977 : i1 to i32
        %sign3A_979 = arith.subi %sign3A_975, %sign3A_978 : i32
        %sign3A_980 = arith.constant 0 : i32
        %sign3A_981 = arith.cmpi sgt, %jit3A_971, %sign3A_980 : i32
        %sign3A_982 = arith.extui %sign3A_981 : i1 to i32
        %sign3A_983 = arith.constant 0 : i32
        %sign3A_984 = arith.cmpi slt, %jit3A_971, %sign3A_983 : i32
        %sign3A_985 = arith.extui %sign3A_984 : i1 to i32
        %sign3A_986 = arith.subi %sign3A_982, %sign3A_985 : i32
        %ne3A_987 = arith.cmpi ne, %sign3A_979, %sign3A_986 : i32
        %rem3A_988 = arith.remsi %add3A_970, %jit3A_971 : i32
        %ne3A_989 = arith.constant 0 : i32
        %ne3A_990 = arith.cmpi ne, %rem3A_988, %ne3A_989 : i32
        %and3A_991 = arith.andi %ne3A_987, %ne3A_990 : i1
        %sub3A_992 = arith.constant 1 : i32
        %sub3A_993 = arith.subi %div3A_972, %sub3A_992 : i32
        %select_n3A_994 = arith.select %and3A_991, %sub3A_993, %div3A_972 : i32
        %jit3A_995 = arith.constant 4 : i32
        %eq3A_996 = arith.constant 0 : i32
        %eq3A_997 = arith.cmpi eq, %jit3A_995, %eq3A_996 : i32
        %jit3A_998 = arith.constant 1 : i32
        %select_n3A_999 = arith.select %eq3A_997, %jit3A_998, %jit3A_995 : i32
        %rem3A_1000 = arith.remsi %add3A_970, %select_n3A_999 : i32
        %ne3A_1001 = arith.constant 0 : i32
        %ne3A_1002 = arith.cmpi ne, %rem3A_1000, %ne3A_1001 : i32
        %lt3A_1003 = arith.constant 0 : i32
        %lt3A_1004 = arith.cmpi slt, %rem3A_1000, %lt3A_1003 : i32
        %lt3A_1005 = arith.constant 0 : i32
        %lt3A_1006 = arith.cmpi slt, %select_n3A_999, %lt3A_1005 : i32
        %ne3A_1007 = arith.xori %lt3A_1004, %lt3A_1006 : i1
        %and3A_1008 = arith.andi %ne3A_1007, %ne3A_1002 : i1
        %add3A_1009 = arith.addi %rem3A_1000, %select_n3A_999 : i32
        %select_n3A_1010 = arith.select %and3A_1008, %add3A_1009, %rem3A_1000 : i32
        %mul3A_1011 = arith.constant 128 : i32
        %mul3A_1012 = arith.muli %select_n3A_1010, %mul3A_1011 : i32
        %dma_start3A_1013 = tpu.memref_slice %arg5[%select_n3A_994, %mul3A_1012] : memref<50x512xi32, #tpu.memory_space<vmem>> -> memref<1x128xi32, #tpu.memory_space<vmem>>
        %dma_start3A_1014 = tpu.memref_squeeze %dma_start3A_1013 : memref<1x128xi32, #tpu.memory_space<vmem>> -> memref<128xi32, #tpu.memory_space<vmem>>
        %dma_start3A_1015 = arith.constant 0 : i32
        %dma_start3A_1016 = arith.constant 0 : i32
        %dma_start3A_1017 = tpu.memref_slice %arg3[%dma_start3A_1015, %dma_start3A_1016] : memref<1000000x32xf32, #tpu.memory_space<hbm>> -> memref<1000000x32xf32, #tpu.memory_space<hbm>>
        tpu.enqueue_indirect_dma source(%dma_start3A_1017 : memref<1000000x32xf32, #tpu.memory_space<hbm>>) target(%arg7 : memref<128x32xf32, #tpu.memory_space<vmem>>) offsets(%dma_start3A_1014 : memref<128xi32, #tpu.memory_space<vmem>>) semaphore(%arg15 : memref<!tpu.dma_semaphore, #tpu.memory_space<semaphore_mem>>)
      } else {
      }
      %add3A_743 = arith.constant 2 : i32
      %add3A_744 = arith.addi %add3A_520, %add3A_743 : i32
      %jit3A_745 = arith.constant 4 : i32
      %div3A_746 = arith.divsi %add3A_744, %jit3A_745 : i32
      %sign3A_747 = arith.constant 0 : i32
      %sign3A_748 = arith.cmpi sgt, %add3A_744, %sign3A_747 : i32
      %sign3A_749 = arith.extui %sign3A_748 : i1 to i32
      %sign3A_750 = arith.constant 0 : i32
      %sign3A_751 = arith.cmpi slt, %add3A_744, %sign3A_750 : i32
      %sign3A_752 = arith.extui %sign3A_751 : i1 to i32
      %sign3A_753 = arith.subi %sign3A_749, %sign3A_752 : i32
      %sign3A_754 = arith.constant 0 : i32
      %sign3A_755 = arith.cmpi sgt, %jit3A_745, %sign3A_754 : i32
      %sign3A_756 = arith.extui %sign3A_755 : i1 to i32
      %sign3A_757 = arith.constant 0 : i32
      %sign3A_758 = arith.cmpi slt, %jit3A_745, %sign3A_757 : i32
      %sign3A_759 = arith.extui %sign3A_758 : i1 to i32
      %sign3A_760 = arith.subi %sign3A_756, %sign3A_759 : i32
      %ne3A_761 = arith.cmpi ne, %sign3A_753, %sign3A_760 : i32
      %rem3A_762 = arith.remsi %add3A_744, %jit3A_745 : i32
      %ne3A_763 = arith.constant 0 : i32
      %ne3A_764 = arith.cmpi ne, %rem3A_762, %ne3A_763 : i32
      %and3A_765 = arith.andi %ne3A_761, %ne3A_764 : i1
      %sub3A_766 = arith.constant 1 : i32
      %sub3A_767 = arith.subi %div3A_746, %sub3A_766 : i32
      %select_n3A_768 = arith.select %and3A_765, %sub3A_767, %div3A_746 : i32
      %jit3A_769 = arith.constant 4 : i32
      %eq3A_770 = arith.constant 0 : i32
      %eq3A_771 = arith.cmpi eq, %jit3A_769, %eq3A_770 : i32
      %jit3A_772 = arith.constant 1 : i32
      %select_n3A_773 = arith.select %eq3A_771, %jit3A_772, %jit3A_769 : i32
      %rem3A_774 = arith.remsi %add3A_744, %select_n3A_773 : i32
      %ne3A_775 = arith.constant 0 : i32
      %ne3A_776 = arith.cmpi ne, %rem3A_774, %ne3A_775 : i32
      %lt3A_777 = arith.constant 0 : i32
      %lt3A_778 = arith.cmpi slt, %rem3A_774, %lt3A_777 : i32
      %lt3A_779 = arith.constant 0 : i32
      %lt3A_780 = arith.cmpi slt, %select_n3A_773, %lt3A_779 : i32
      %ne3A_781 = arith.xori %lt3A_778, %lt3A_780 : i1
      %and3A_782 = arith.andi %ne3A_781, %ne3A_776 : i1
      %add3A_783 = arith.addi %rem3A_774, %select_n3A_773 : i32
      %select_n3A_784 = arith.select %and3A_782, %add3A_783, %rem3A_774 : i32
      %mul3A_785 = arith.constant 128 : i32
      %mul3A_786 = arith.muli %select_n3A_784, %mul3A_785 : i32
      %dma_wait3A_787 = tpu.memref_slice %arg5[%select_n3A_768, %mul3A_786] : memref<50x512xi32, #tpu.memory_space<vmem>> -> memref<1x128xi32, #tpu.memory_space<vmem>>
      %dma_wait3A_788 = tpu.memref_squeeze %dma_wait3A_787 : memref<1x128xi32, #tpu.memory_space<vmem>> -> memref<128xi32, #tpu.memory_space<vmem>>
      %dma_wait3A_789 = arith.constant 0 : i32
      %dma_wait3A_790 = arith.constant 0 : i32
      %dma_wait3A_791 = tpu.memref_slice %arg3[%dma_wait3A_789, %dma_wait3A_790] : memref<1000000x32xf32, #tpu.memory_space<hbm>> -> memref<1000000x32xf32, #tpu.memory_space<hbm>>
      tpu.wait_indirect_dma semaphore(%arg16 : memref<!tpu.dma_semaphore, #tpu.memory_space<semaphore_mem>>) src(%dma_wait3A_791 : memref<1000000x32xf32, #tpu.memory_space<hbm>>) dst(%arg8 : memref<128x32xf32, #tpu.memory_space<vmem>>)
      %ge3A_792 = arith.constant 4 : i32
      %ge3A_793 = arith.cmpi sge, %add3A_744, %ge3A_792 : i32
      %convert_element_type3A_794 = arith.extui %ge3A_793 : i1 to i32
      %cond3A_795 = arith.constant 0 : i32
      %cond3A_796 = arith.cmpi ne, %convert_element_type3A_794, %cond3A_795 : i32
      scf.if %cond3A_796 {
        %sub3A_969 = arith.constant 4 : i32
        %sub3A_970 = arith.subi %add3A_744, %sub3A_969 : i32
        %jit3A_971 = arith.constant 4 : i32
        %div3A_972 = arith.divsi %sub3A_970, %jit3A_971 : i32
        %sign3A_973 = arith.constant 0 : i32
        %sign3A_974 = arith.cmpi sgt, %sub3A_970, %sign3A_973 : i32
        %sign3A_975 = arith.extui %sign3A_974 : i1 to i32
        %sign3A_976 = arith.constant 0 : i32
        %sign3A_977 = arith.cmpi slt, %sub3A_970, %sign3A_976 : i32
        %sign3A_978 = arith.extui %sign3A_977 : i1 to i32
        %sign3A_979 = arith.subi %sign3A_975, %sign3A_978 : i32
        %sign3A_980 = arith.constant 0 : i32
        %sign3A_981 = arith.cmpi sgt, %jit3A_971, %sign3A_980 : i32
        %sign3A_982 = arith.extui %sign3A_981 : i1 to i32
        %sign3A_983 = arith.constant 0 : i32
        %sign3A_984 = arith.cmpi slt, %jit3A_971, %sign3A_983 : i32
        %sign3A_985 = arith.extui %sign3A_984 : i1 to i32
        %sign3A_986 = arith.subi %sign3A_982, %sign3A_985 : i32
        %ne3A_987 = arith.cmpi ne, %sign3A_979, %sign3A_986 : i32
        %rem3A_988 = arith.remsi %sub3A_970, %jit3A_971 : i32
        %ne3A_989 = arith.constant 0 : i32
        %ne3A_990 = arith.cmpi ne, %rem3A_988, %ne3A_989 : i32
        %and3A_991 = arith.andi %ne3A_987, %ne3A_990 : i1
        %sub3A_992 = arith.constant 1 : i32
        %sub3A_993 = arith.subi %div3A_972, %sub3A_992 : i32
        %select_n3A_994 = arith.select %and3A_991, %sub3A_993, %div3A_972 : i32
        %jit3A_995 = arith.constant 4 : i32
        %eq3A_996 = arith.constant 0 : i32
        %eq3A_997 = arith.cmpi eq, %jit3A_995, %eq3A_996 : i32
        %jit3A_998 = arith.constant 1 : i32
        %select_n3A_999 = arith.select %eq3A_997, %jit3A_998, %jit3A_995 : i32
        %rem3A_1000 = arith.remsi %sub3A_970, %select_n3A_999 : i32
        %ne3A_1001 = arith.constant 0 : i32
        %ne3A_1002 = arith.cmpi ne, %rem3A_1000, %ne3A_1001 : i32
        %lt3A_1003 = arith.constant 0 : i32
        %lt3A_1004 = arith.cmpi slt, %rem3A_1000, %lt3A_1003 : i32
        %lt3A_1005 = arith.constant 0 : i32
        %lt3A_1006 = arith.cmpi slt, %select_n3A_999, %lt3A_1005 : i32
        %ne3A_1007 = arith.xori %lt3A_1004, %lt3A_1006 : i1
        %and3A_1008 = arith.andi %ne3A_1007, %ne3A_1002 : i1
        %add3A_1009 = arith.addi %rem3A_1000, %select_n3A_999 : i32
        %select_n3A_1010 = arith.select %and3A_1008, %add3A_1009, %rem3A_1000 : i32
        %add3A_1011 = arith.addi %mul3A_2, %select_n3A_1010 : i32
        %dma_wait3A_1012 = arith.constant 0 : i32
        %dma_wait3A_1013 = arith.constant 0 : i32
        %dma_wait3A_1014 = tpu.memref_slice %arg4[%select_n3A_994, %dma_wait3A_1012, %add3A_1011, %dma_wait3A_1013] : memref<50x4x128x1024xf32, #tpu.memory_space<hbm>> -> memref<1x4x1x1024xf32, #tpu.memory_space<hbm>>
        %dma_wait3A_1015 = tpu.memref_squeeze %dma_wait3A_1014 : memref<1x4x1x1024xf32, #tpu.memory_space<hbm>> -> memref<4x1024xf32, #tpu.memory_space<hbm>>
        %dma_wait3A_1016 = arith.constant 0 : i32
        %dma_wait3A_1017 = arith.constant 0 : i32
        %dma_wait3A_1018 = tpu.memref_slice %arg4[%select_n3A_994, %dma_wait3A_1016, %add3A_1011, %dma_wait3A_1017] : memref<50x4x128x1024xf32, #tpu.memory_space<hbm>> -> memref<1x4x1x1024xf32, #tpu.memory_space<hbm>>
        %dma_wait3A_1019 = tpu.memref_squeeze %dma_wait3A_1018 : memref<1x4x1x1024xf32, #tpu.memory_space<hbm>> -> memref<4x1024xf32, #tpu.memory_space<hbm>>
        tpu.wait_dma2 semaphore(%arg20 : memref<!tpu.dma_semaphore, #tpu.memory_space<semaphore_mem>>) src(%arg12 : memref<4x1024xf32, #tpu.memory_space<vmem>>) dst(%dma_wait3A_1019 : memref<4x1024xf32, #tpu.memory_space<hbm>>)
      } else {
      }
      %parallel_loop3A_797 = arith.constant 0 : i32
      %parallel_loop3A_798 = arith.constant 128 : i32
      %parallel_loop3A_799 = arith.constant 1 : i32
      scf.for %parallel_loop3A_969 = %parallel_loop3A_797 to %parallel_loop3A_798 step %parallel_loop3A_799  : i32 {
        %parallel_loop3A_970 = arith.index_cast %parallel_loop3A_969 : i32 to index
        %parallel_loop3A_971 = arith.constant 0 : index
        %parallel_loop3A_972 = tpu.vector_load %arg8[%parallel_loop3A_970, %parallel_loop3A_971] {strides = array<i32>} : memref<128x32xf32, #tpu.memory_space<vmem>>, vector<16xf32>,
        %parallel_loop3A_973 = vector.broadcast %parallel_loop3A_969 : i32 to vector<16xi32>
        %parallel_loop3A_974 = arith.addi %mul3A_88, %parallel_loop3A_973 : vector<16xi32>
        tpu.vector_store_idx %arg12[%select_n3A, %parallel_loop3A_974], %parallel_loop3A_972 : memref<4x1024xf32, #tpu.memory_space<vmem>>[vector<16xi32>, vector<16xi32>], vector<16xf32>,
        %parallel_loop3A_975 = arith.index_cast %parallel_loop3A_969 : i32 to index
        %parallel_loop3A_976 = arith.constant 16 : index
        %parallel_loop3A_977 = tpu.vector_load %arg8[%parallel_loop3A_975, %parallel_loop3A_976] {strides = array<i32>} : memref<128x32xf32, #tpu.memory_space<vmem>>, vector<16xf32>,
        %parallel_loop3A_978 = vector.broadcast %parallel_loop3A_969 : i32 to vector<16xi32>
        %parallel_loop3A_979 = arith.addi %mul3A_113, %parallel_loop3A_978 : vector<16xi32>
        tpu.vector_store_idx %arg12[%select_n3A_65, %parallel_loop3A_979], %parallel_loop3A_977 : memref<4x1024xf32, #tpu.memory_space<vmem>>[vector<16xi32>, vector<16xi32>], vector<16xf32>,
      } {sc.loop_unroll_factor = 8 : i64, sc.parallel_access}
      %jit3A_800 = arith.constant 4 : i32
      %div3A_801 = arith.divsi %add3A_744, %jit3A_800 : i32
      %sign3A_802 = arith.constant 0 : i32
      %sign3A_803 = arith.cmpi sgt, %add3A_744, %sign3A_802 : i32
      %sign3A_804 = arith.extui %sign3A_803 : i1 to i32
      %sign3A_805 = arith.constant 0 : i32
      %sign3A_806 = arith.cmpi slt, %add3A_744, %sign3A_805 : i32
      %sign3A_807 = arith.extui %sign3A_806 : i1 to i32
      %sign3A_808 = arith.subi %sign3A_804, %sign3A_807 : i32
      %sign3A_809 = arith.constant 0 : i32
      %sign3A_810 = arith.cmpi sgt, %jit3A_800, %sign3A_809 : i32
      %sign3A_811 = arith.extui %sign3A_810 : i1 to i32
      %sign3A_812 = arith.constant 0 : i32
      %sign3A_813 = arith.cmpi slt, %jit3A_800, %sign3A_812 : i32
      %sign3A_814 = arith.extui %sign3A_813 : i1 to i32
      %sign3A_815 = arith.subi %sign3A_811, %sign3A_814 : i32
      %ne3A_816 = arith.cmpi ne, %sign3A_808, %sign3A_815 : i32
      %rem3A_817 = arith.remsi %add3A_744, %jit3A_800 : i32
      %ne3A_818 = arith.constant 0 : i32
      %ne3A_819 = arith.cmpi ne, %rem3A_817, %ne3A_818 : i32
      %and3A_820 = arith.andi %ne3A_816, %ne3A_819 : i1
      %sub3A_821 = arith.constant 1 : i32
      %sub3A_822 = arith.subi %div3A_801, %sub3A_821 : i32
      %select_n3A_823 = arith.select %and3A_820, %sub3A_822, %div3A_801 : i32
      %jit3A_824 = arith.constant 4 : i32
      %eq3A_825 = arith.constant 0 : i32
      %eq3A_826 = arith.cmpi eq, %jit3A_824, %eq3A_825 : i32
      %jit3A_827 = arith.constant 1 : i32
      %select_n3A_828 = arith.select %eq3A_826, %jit3A_827, %jit3A_824 : i32
      %rem3A_829 = arith.remsi %add3A_744, %select_n3A_828 : i32
      %ne3A_830 = arith.constant 0 : i32
      %ne3A_831 = arith.cmpi ne, %rem3A_829, %ne3A_830 : i32
      %lt3A_832 = arith.constant 0 : i32
      %lt3A_833 = arith.cmpi slt, %rem3A_829, %lt3A_832 : i32
      %lt3A_834 = arith.constant 0 : i32
      %lt3A_835 = arith.cmpi slt, %select_n3A_828, %lt3A_834 : i32
      %ne3A_836 = arith.xori %lt3A_833, %lt3A_835 : i1
      %and3A_837 = arith.andi %ne3A_836, %ne3A_831 : i1
      %add3A_838 = arith.addi %rem3A_829, %select_n3A_828 : i32
      %select_n3A_839 = arith.select %and3A_837, %add3A_838, %rem3A_829 : i32
      %add3A_840 = arith.addi %mul3A_2, %select_n3A_839 : i32
      %dma_start3A_841 = arith.constant 0 : i32
      %dma_start3A_842 = arith.constant 0 : i32
      %dma_start3A_843 = tpu.memref_slice %arg4[%select_n3A_823, %dma_start3A_841, %add3A_840, %dma_start3A_842] : memref<50x4x128x1024xf32, #tpu.memory_space<hbm>> -> memref<1x4x1x1024xf32, #tpu.memory_space<hbm>>
      %dma_start3A_844 = tpu.memref_squeeze %dma_start3A_843 : memref<1x4x1x1024xf32, #tpu.memory_space<hbm>> -> memref<4x1024xf32, #tpu.memory_space<hbm>>
      %dma_start3A_845 = arith.constant 0 : i32
      %dma_start3A_846 = arith.constant 0 : i32
      %dma_start3A_847 = tpu.memref_slice %arg4[%select_n3A_823, %dma_start3A_845, %add3A_840, %dma_start3A_846] : memref<50x4x128x1024xf32, #tpu.memory_space<hbm>> -> memref<1x4x1x1024xf32, #tpu.memory_space<hbm>>
      %dma_start3A_848 = tpu.memref_squeeze %dma_start3A_847 : memref<1x4x1x1024xf32, #tpu.memory_space<hbm>> -> memref<4x1024xf32, #tpu.memory_space<hbm>>
      tpu.enqueue_dma source(%arg12 : memref<4x1024xf32, #tpu.memory_space<vmem>>) target(%dma_start3A_848 : memref<4x1024xf32, #tpu.memory_space<hbm>>) target_semaphore(%arg20 : memref<!tpu.dma_semaphore, #tpu.memory_space<semaphore_mem>>)
      %add3A_849 = arith.constant 4 : i32
      %add3A_850 = arith.addi %add3A_744, %add3A_849 : i32
      %lt3A_851 = arith.constant 200 : i32
      %lt3A_852 = arith.cmpi slt, %add3A_850, %lt3A_851 : i32
      %convert_element_type3A_853 = arith.extui %lt3A_852 : i1 to i32
      %cond3A_854 = arith.constant 0 : i32
      %cond3A_855 = arith.cmpi ne, %convert_element_type3A_853, %cond3A_854 : i32
      scf.if %cond3A_855 {
        %add3A_969 = arith.constant 4 : i32
        %add3A_970 = arith.addi %add3A_744, %add3A_969 : i32
        %jit3A_971 = arith.constant 4 : i32
        %div3A_972 = arith.divsi %add3A_970, %jit3A_971 : i32
        %sign3A_973 = arith.constant 0 : i32
        %sign3A_974 = arith.cmpi sgt, %add3A_970, %sign3A_973 : i32
        %sign3A_975 = arith.extui %sign3A_974 : i1 to i32
        %sign3A_976 = arith.constant 0 : i32
        %sign3A_977 = arith.cmpi slt, %add3A_970, %sign3A_976 : i32
        %sign3A_978 = arith.extui %sign3A_977 : i1 to i32
        %sign3A_979 = arith.subi %sign3A_975, %sign3A_978 : i32
        %sign3A_980 = arith.constant 0 : i32
        %sign3A_981 = arith.cmpi sgt, %jit3A_971, %sign3A_980 : i32
        %sign3A_982 = arith.extui %sign3A_981 : i1 to i32
        %sign3A_983 = arith.constant 0 : i32
        %sign3A_984 = arith.cmpi slt, %jit3A_971, %sign3A_983 : i32
        %sign3A_985 = arith.extui %sign3A_984 : i1 to i32
        %sign3A_986 = arith.subi %sign3A_982, %sign3A_985 : i32
        %ne3A_987 = arith.cmpi ne, %sign3A_979, %sign3A_986 : i32
        %rem3A_988 = arith.remsi %add3A_970, %jit3A_971 : i32
        %ne3A_989 = arith.constant 0 : i32
        %ne3A_990 = arith.cmpi ne, %rem3A_988, %ne3A_989 : i32
        %and3A_991 = arith.andi %ne3A_987, %ne3A_990 : i1
        %sub3A_992 = arith.constant 1 : i32
        %sub3A_993 = arith.subi %div3A_972, %sub3A_992 : i32
        %select_n3A_994 = arith.select %and3A_991, %sub3A_993, %div3A_972 : i32
        %jit3A_995 = arith.constant 4 : i32
        %eq3A_996 = arith.constant 0 : i32
        %eq3A_997 = arith.cmpi eq, %jit3A_995, %eq3A_996 : i32
        %jit3A_998 = arith.constant 1 : i32
        %select_n3A_999 = arith.select %eq3A_997, %jit3A_998, %jit3A_995 : i32
        %rem3A_1000 = arith.remsi %add3A_970, %select_n3A_999 : i32
        %ne3A_1001 = arith.constant 0 : i32
        %ne3A_1002 = arith.cmpi ne, %rem3A_1000, %ne3A_1001 : i32
        %lt3A_1003 = arith.constant 0 : i32
        %lt3A_1004 = arith.cmpi slt, %rem3A_1000, %lt3A_1003 : i32
        %lt3A_1005 = arith.constant 0 : i32
        %lt3A_1006 = arith.cmpi slt, %select_n3A_999, %lt3A_1005 : i32
        %ne3A_1007 = arith.xori %lt3A_1004, %lt3A_1006 : i1
        %and3A_1008 = arith.andi %ne3A_1007, %ne3A_1002 : i1
        %add3A_1009 = arith.addi %rem3A_1000, %select_n3A_999 : i32
        %select_n3A_1010 = arith.select %and3A_1008, %add3A_1009, %rem3A_1000 : i32
        %mul3A_1011 = arith.constant 128 : i32
        %mul3A_1012 = arith.muli %select_n3A_1010, %mul3A_1011 : i32
        %dma_start3A_1013 = tpu.memref_slice %arg5[%select_n3A_994, %mul3A_1012] : memref<50x512xi32, #tpu.memory_space<vmem>> -> memref<1x128xi32, #tpu.memory_space<vmem>>
        %dma_start3A_1014 = tpu.memref_squeeze %dma_start3A_1013 : memref<1x128xi32, #tpu.memory_space<vmem>> -> memref<128xi32, #tpu.memory_space<vmem>>
        %dma_start3A_1015 = arith.constant 0 : i32
        %dma_start3A_1016 = arith.constant 0 : i32
        %dma_start3A_1017 = tpu.memref_slice %arg3[%dma_start3A_1015, %dma_start3A_1016] : memref<1000000x32xf32, #tpu.memory_space<hbm>> -> memref<1000000x32xf32, #tpu.memory_space<hbm>>
        tpu.enqueue_indirect_dma source(%dma_start3A_1017 : memref<1000000x32xf32, #tpu.memory_space<hbm>>) target(%arg8 : memref<128x32xf32, #tpu.memory_space<vmem>>) offsets(%dma_start3A_1014 : memref<128xi32, #tpu.memory_space<vmem>>) semaphore(%arg16 : memref<!tpu.dma_semaphore, #tpu.memory_space<semaphore_mem>>)
      } else {
      }
      %add3A_856 = arith.constant 3 : i32
      %add3A_857 = arith.addi %add3A_520, %add3A_856 : i32
      %jit3A_858 = arith.constant 4 : i32
      %div3A_859 = arith.divsi %add3A_857, %jit3A_858 : i32
      %sign3A_860 = arith.constant 0 : i32
      %sign3A_861 = arith.cmpi sgt, %add3A_857, %sign3A_860 : i32
      %sign3A_862 = arith.extui %sign3A_861 : i1 to i32
      %sign3A_863 = arith.constant 0 : i32
      %sign3A_864 = arith.cmpi slt, %add3A_857, %sign3A_863 : i32
      %sign3A_865 = arith.extui %sign3A_864 : i1 to i32
      %sign3A_866 = arith.subi %sign3A_862, %sign3A_865 : i32
      %sign3A_867 = arith.constant 0 : i32
      %sign3A_868 = arith.cmpi sgt, %jit3A_858, %sign3A_867 : i32
      %sign3A_869 = arith.extui %sign3A_868 : i1 to i32
      %sign3A_870 = arith.constant 0 : i32
      %sign3A_871 = arith.cmpi slt, %jit3A_858, %sign3A_870 : i32
      %sign3A_872 = arith.extui %sign3A_871 : i1 to i32
      %sign3A_873 = arith.subi %sign3A_869, %sign3A_872 : i32
      %ne3A_874 = arith.cmpi ne, %sign3A_866, %sign3A_873 : i32
      %rem3A_875 = arith.remsi %add3A_857, %jit3A_858 : i32
      %ne3A_876 = arith.constant 0 : i32
      %ne3A_877 = arith.cmpi ne, %rem3A_875, %ne3A_876 : i32
      %and3A_878 = arith.andi %ne3A_874, %ne3A_877 : i1
      %sub3A_879 = arith.constant 1 : i32
      %sub3A_880 = arith.subi %div3A_859, %sub3A_879 : i32
      %select_n3A_881 = arith.select %and3A_878, %sub3A_880, %div3A_859 : i32
      %jit3A_882 = arith.constant 4 : i32
      %eq3A_883 = arith.constant 0 : i32
      %eq3A_884 = arith.cmpi eq, %jit3A_882, %eq3A_883 : i32
      %jit3A_885 = arith.constant 1 : i32
      %select_n3A_886 = arith.select %eq3A_884, %jit3A_885, %jit3A_882 : i32
      %rem3A_887 = arith.remsi %add3A_857, %select_n3A_886 : i32
      %ne3A_888 = arith.constant 0 : i32
      %ne3A_889 = arith.cmpi ne, %rem3A_887, %ne3A_888 : i32
      %lt3A_890 = arith.constant 0 : i32
      %lt3A_891 = arith.cmpi slt, %rem3A_887, %lt3A_890 : i32
      %lt3A_892 = arith.constant 0 : i32
      %lt3A_893 = arith.cmpi slt, %select_n3A_886, %lt3A_892 : i32
      %ne3A_894 = arith.xori %lt3A_891, %lt3A_893 : i1
      %and3A_895 = arith.andi %ne3A_894, %ne3A_889 : i1
      %add3A_896 = arith.addi %rem3A_887, %select_n3A_886 : i32
      %select_n3A_897 = arith.select %and3A_895, %add3A_896, %rem3A_887 : i32
      %mul3A_898 = arith.constant 128 : i32
      %mul3A_899 = arith.muli %select_n3A_897, %mul3A_898 : i32
      %dma_wait3A_900 = tpu.memref_slice %arg5[%select_n3A_881, %mul3A_899] : memref<50x512xi32, #tpu.memory_space<vmem>> -> memref<1x128xi32, #tpu.memory_space<vmem>>
      %dma_wait3A_901 = tpu.memref_squeeze %dma_wait3A_900 : memref<1x128xi32, #tpu.memory_space<vmem>> -> memref<128xi32, #tpu.memory_space<vmem>>
      %dma_wait3A_902 = arith.constant 0 : i32
      %dma_wait3A_903 = arith.constant 0 : i32
      %dma_wait3A_904 = tpu.memref_slice %arg3[%dma_wait3A_902, %dma_wait3A_903] : memref<1000000x32xf32, #tpu.memory_space<hbm>> -> memref<1000000x32xf32, #tpu.memory_space<hbm>>
      tpu.wait_indirect_dma semaphore(%arg17 : memref<!tpu.dma_semaphore, #tpu.memory_space<semaphore_mem>>) src(%dma_wait3A_904 : memref<1000000x32xf32, #tpu.memory_space<hbm>>) dst(%arg9 : memref<128x32xf32, #tpu.memory_space<vmem>>)
      %ge3A_905 = arith.constant 4 : i32
      %ge3A_906 = arith.cmpi sge, %add3A_857, %ge3A_905 : i32
      %convert_element_type3A_907 = arith.extui %ge3A_906 : i1 to i32
      %cond3A_908 = arith.constant 0 : i32
      %cond3A_909 = arith.cmpi ne, %convert_element_type3A_907, %cond3A_908 : i32
      scf.if %cond3A_909 {
        %sub3A_969 = arith.constant 4 : i32
        %sub3A_970 = arith.subi %add3A_857, %sub3A_969 : i32
        %jit3A_971 = arith.constant 4 : i32
        %div3A_972 = arith.divsi %sub3A_970, %jit3A_971 : i32
        %sign3A_973 = arith.constant 0 : i32
        %sign3A_974 = arith.cmpi sgt, %sub3A_970, %sign3A_973 : i32
        %sign3A_975 = arith.extui %sign3A_974 : i1 to i32
        %sign3A_976 = arith.constant 0 : i32
        %sign3A_977 = arith.cmpi slt, %sub3A_970, %sign3A_976 : i32
        %sign3A_978 = arith.extui %sign3A_977 : i1 to i32
        %sign3A_979 = arith.subi %sign3A_975, %sign3A_978 : i32
        %sign3A_980 = arith.constant 0 : i32
        %sign3A_981 = arith.cmpi sgt, %jit3A_971, %sign3A_980 : i32
        %sign3A_982 = arith.extui %sign3A_981 : i1 to i32
        %sign3A_983 = arith.constant 0 : i32
        %sign3A_984 = arith.cmpi slt, %jit3A_971, %sign3A_983 : i32
        %sign3A_985 = arith.extui %sign3A_984 : i1 to i32
        %sign3A_986 = arith.subi %sign3A_982, %sign3A_985 : i32
        %ne3A_987 = arith.cmpi ne, %sign3A_979, %sign3A_986 : i32
        %rem3A_988 = arith.remsi %sub3A_970, %jit3A_971 : i32
        %ne3A_989 = arith.constant 0 : i32
        %ne3A_990 = arith.cmpi ne, %rem3A_988, %ne3A_989 : i32
        %and3A_991 = arith.andi %ne3A_987, %ne3A_990 : i1
        %sub3A_992 = arith.constant 1 : i32
        %sub3A_993 = arith.subi %div3A_972, %sub3A_992 : i32
        %select_n3A_994 = arith.select %and3A_991, %sub3A_993, %div3A_972 : i32
        %jit3A_995 = arith.constant 4 : i32
        %eq3A_996 = arith.constant 0 : i32
        %eq3A_997 = arith.cmpi eq, %jit3A_995, %eq3A_996 : i32
        %jit3A_998 = arith.constant 1 : i32
        %select_n3A_999 = arith.select %eq3A_997, %jit3A_998, %jit3A_995 : i32
        %rem3A_1000 = arith.remsi %sub3A_970, %select_n3A_999 : i32
        %ne3A_1001 = arith.constant 0 : i32
        %ne3A_1002 = arith.cmpi ne, %rem3A_1000, %ne3A_1001 : i32
        %lt3A_1003 = arith.constant 0 : i32
        %lt3A_1004 = arith.cmpi slt, %rem3A_1000, %lt3A_1003 : i32
        %lt3A_1005 = arith.constant 0 : i32
        %lt3A_1006 = arith.cmpi slt, %select_n3A_999, %lt3A_1005 : i32
        %ne3A_1007 = arith.xori %lt3A_1004, %lt3A_1006 : i1
        %and3A_1008 = arith.andi %ne3A_1007, %ne3A_1002 : i1
        %add3A_1009 = arith.addi %rem3A_1000, %select_n3A_999 : i32
        %select_n3A_1010 = arith.select %and3A_1008, %add3A_1009, %rem3A_1000 : i32
        %add3A_1011 = arith.addi %mul3A_2, %select_n3A_1010 : i32
        %dma_wait3A_1012 = arith.constant 0 : i32
        %dma_wait3A_1013 = arith.constant 0 : i32
        %dma_wait3A_1014 = tpu.memref_slice %arg4[%select_n3A_994, %dma_wait3A_1012, %add3A_1011, %dma_wait3A_1013] : memref<50x4x128x1024xf32, #tpu.memory_space<hbm>> -> memref<1x4x1x1024xf32, #tpu.memory_space<hbm>>
        %dma_wait3A_1015 = tpu.memref_squeeze %dma_wait3A_1014 : memref<1x4x1x1024xf32, #tpu.memory_space<hbm>> -> memref<4x1024xf32, #tpu.memory_space<hbm>>
        %dma_wait3A_1016 = arith.constant 0 : i32
        %dma_wait3A_1017 = arith.constant 0 : i32
        %dma_wait3A_1018 = tpu.memref_slice %arg4[%select_n3A_994, %dma_wait3A_1016, %add3A_1011, %dma_wait3A_1017] : memref<50x4x128x1024xf32, #tpu.memory_space<hbm>> -> memref<1x4x1x1024xf32, #tpu.memory_space<hbm>>
        %dma_wait3A_1019 = tpu.memref_squeeze %dma_wait3A_1018 : memref<1x4x1x1024xf32, #tpu.memory_space<hbm>> -> memref<4x1024xf32, #tpu.memory_space<hbm>>
        tpu.wait_dma2 semaphore(%arg21 : memref<!tpu.dma_semaphore, #tpu.memory_space<semaphore_mem>>) src(%arg13 : memref<4x1024xf32, #tpu.memory_space<vmem>>) dst(%dma_wait3A_1019 : memref<4x1024xf32, #tpu.memory_space<hbm>>)
      } else {
      }
      %parallel_loop3A_910 = arith.constant 0 : i32
      %parallel_loop3A_911 = arith.constant 128 : i32
      %parallel_loop3A_912 = arith.constant 1 : i32
      scf.for %parallel_loop3A_969 = %parallel_loop3A_910 to %parallel_loop3A_911 step %parallel_loop3A_912  : i32 {
        %parallel_loop3A_970 = arith.index_cast %parallel_loop3A_969 : i32 to index
        %parallel_loop3A_971 = arith.constant 0 : index
        %parallel_loop3A_972 = tpu.vector_load %arg9[%parallel_loop3A_970, %parallel_loop3A_971] {strides = array<i32>} : memref<128x32xf32, #tpu.memory_space<vmem>>, vector<16xf32>,
        %parallel_loop3A_973 = vector.broadcast %parallel_loop3A_969 : i32 to vector<16xi32>
        %parallel_loop3A_974 = arith.addi %mul3A_88, %parallel_loop3A_973 : vector<16xi32>
        tpu.vector_store_idx %arg13[%select_n3A, %parallel_loop3A_974], %parallel_loop3A_972 : memref<4x1024xf32, #tpu.memory_space<vmem>>[vector<16xi32>, vector<16xi32>], vector<16xf32>,
        %parallel_loop3A_975 = arith.index_cast %parallel_loop3A_969 : i32 to index
        %parallel_loop3A_976 = arith.constant 16 : index
        %parallel_loop3A_977 = tpu.vector_load %arg9[%parallel_loop3A_975, %parallel_loop3A_976] {strides = array<i32>} : memref<128x32xf32, #tpu.memory_space<vmem>>, vector<16xf32>,
        %parallel_loop3A_978 = vector.broadcast %parallel_loop3A_969 : i32 to vector<16xi32>
        %parallel_loop3A_979 = arith.addi %mul3A_113, %parallel_loop3A_978 : vector<16xi32>
        tpu.vector_store_idx %arg13[%select_n3A_65, %parallel_loop3A_979], %parallel_loop3A_977 : memref<4x1024xf32, #tpu.memory_space<vmem>>[vector<16xi32>, vector<16xi32>], vector<16xf32>,
      } {sc.loop_unroll_factor = 8 : i64, sc.parallel_access}
      %jit3A_913 = arith.constant 4 : i32
      %div3A_914 = arith.divsi %add3A_857, %jit3A_913 : i32
      %sign3A_915 = arith.constant 0 : i32
      %sign3A_916 = arith.cmpi sgt, %add3A_857, %sign3A_915 : i32
      %sign3A_917 = arith.extui %sign3A_916 : i1 to i32
      %sign3A_918 = arith.constant 0 : i32
      %sign3A_919 = arith.cmpi slt, %add3A_857, %sign3A_918 : i32
      %sign3A_920 = arith.extui %sign3A_919 : i1 to i32
      %sign3A_921 = arith.subi %sign3A_917, %sign3A_920 : i32
      %sign3A_922 = arith.constant 0 : i32
      %sign3A_923 = arith.cmpi sgt, %jit3A_913, %sign3A_922 : i32
      %sign3A_924 = arith.extui %sign3A_923 : i1 to i32
      %sign3A_925 = arith.constant 0 : i32
      %sign3A_926 = arith.cmpi slt, %jit3A_913, %sign3A_925 : i32
      %sign3A_927 = arith.extui %sign3A_926 : i1 to i32
      %sign3A_928 = arith.subi %sign3A_924, %sign3A_927 : i32
      %ne3A_929 = arith.cmpi ne, %sign3A_921, %sign3A_928 : i32
      %rem3A_930 = arith.remsi %add3A_857, %jit3A_913 : i32
      %ne3A_931 = arith.constant 0 : i32
      %ne3A_932 = arith.cmpi ne, %rem3A_930, %ne3A_931 : i32
      %and3A_933 = arith.andi %ne3A_929, %ne3A_932 : i1
      %sub3A_934 = arith.constant 1 : i32
      %sub3A_935 = arith.subi %div3A_914, %sub3A_934 : i32
      %select_n3A_936 = arith.select %and3A_933, %sub3A_935, %div3A_914 : i32
      %jit3A_937 = arith.constant 4 : i32
      %eq3A_938 = arith.constant 0 : i32
      %eq3A_939 = arith.cmpi eq, %jit3A_937, %eq3A_938 : i32
      %jit3A_940 = arith.constant 1 : i32
      %select_n3A_941 = arith.select %eq3A_939, %jit3A_940, %jit3A_937 : i32
      %rem3A_942 = arith.remsi %add3A_857, %select_n3A_941 : i32
      %ne3A_943 = arith.constant 0 : i32
      %ne3A_944 = arith.cmpi ne, %rem3A_942, %ne3A_943 : i32
      %lt3A_945 = arith.constant 0 : i32
      %lt3A_946 = arith.cmpi slt, %rem3A_942, %lt3A_945 : i32
      %lt3A_947 = arith.constant 0 : i32
      %lt3A_948 = arith.cmpi slt, %select_n3A_941, %lt3A_947 : i32
      %ne3A_949 = arith.xori %lt3A_946, %lt3A_948 : i1
      %and3A_950 = arith.andi %ne3A_949, %ne3A_944 : i1
      %add3A_951 = arith.addi %rem3A_942, %select_n3A_941 : i32
      %select_n3A_952 = arith.select %and3A_950, %add3A_951, %rem3A_942 : i32
      %add3A_953 = arith.addi %mul3A_2, %select_n3A_952 : i32
      %dma_start3A_954 = arith.constant 0 : i32
      %dma_start3A_955 = arith.constant 0 : i32
      %dma_start3A_956 = tpu.memref_slice %arg4[%select_n3A_936, %dma_start3A_954, %add3A_953, %dma_start3A_955] : memref<50x4x128x1024xf32, #tpu.memory_space<hbm>> -> memref<1x4x1x1024xf32, #tpu.memory_space<hbm>>
      %dma_start3A_957 = tpu.memref_squeeze %dma_start3A_956 : memref<1x4x1x1024xf32, #tpu.memory_space<hbm>> -> memref<4x1024xf32, #tpu.memory_space<hbm>>
      %dma_start3A_958 = arith.constant 0 : i32
      %dma_start3A_959 = arith.constant 0 : i32
      %dma_start3A_960 = tpu.memref_slice %arg4[%select_n3A_936, %dma_start3A_958, %add3A_953, %dma_start3A_959] : memref<50x4x128x1024xf32, #tpu.memory_space<hbm>> -> memref<1x4x1x1024xf32, #tpu.memory_space<hbm>>
      %dma_start3A_961 = tpu.memref_squeeze %dma_start3A_960 : memref<1x4x1x1024xf32, #tpu.memory_space<hbm>> -> memref<4x1024xf32, #tpu.memory_space<hbm>>
      tpu.enqueue_dma source(%arg13 : memref<4x1024xf32, #tpu.memory_space<vmem>>) target(%dma_start3A_961 : memref<4x1024xf32, #tpu.memory_space<hbm>>) target_semaphore(%arg21 : memref<!tpu.dma_semaphore, #tpu.memory_space<semaphore_mem>>)
      %add3A_962 = arith.constant 4 : i32
      %add3A_963 = arith.addi %add3A_857, %add3A_962 : i32
      %lt3A_964 = arith.constant 200 : i32
      %lt3A_965 = arith.cmpi slt, %add3A_963, %lt3A_964 : i32
      %convert_element_type3A_966 = arith.extui %lt3A_965 : i1 to i32
      %cond3A_967 = arith.constant 0 : i32
      %cond3A_968 = arith.cmpi ne, %convert_element_type3A_966, %cond3A_967 : i32
      scf.if %cond3A_968 {
        %add3A_969 = arith.constant 4 : i32
        %add3A_970 = arith.addi %add3A_857, %add3A_969 : i32
        %jit3A_971 = arith.constant 4 : i32
        %div3A_972 = arith.divsi %add3A_970, %jit3A_971 : i32
        %sign3A_973 = arith.constant 0 : i32
        %sign3A_974 = arith.cmpi sgt, %add3A_970, %sign3A_973 : i32
        %sign3A_975 = arith.extui %sign3A_974 : i1 to i32
        %sign3A_976 = arith.constant 0 : i32
        %sign3A_977 = arith.cmpi slt, %add3A_970, %sign3A_976 : i32
        %sign3A_978 = arith.extui %sign3A_977 : i1 to i32
        %sign3A_979 = arith.subi %sign3A_975, %sign3A_978 : i32
        %sign3A_980 = arith.constant 0 : i32
        %sign3A_981 = arith.cmpi sgt, %jit3A_971, %sign3A_980 : i32
        %sign3A_982 = arith.extui %sign3A_981 : i1 to i32
        %sign3A_983 = arith.constant 0 : i32
        %sign3A_984 = arith.cmpi slt, %jit3A_971, %sign3A_983 : i32
        %sign3A_985 = arith.extui %sign3A_984 : i1 to i32
        %sign3A_986 = arith.subi %sign3A_982, %sign3A_985 : i32
        %ne3A_987 = arith.cmpi ne, %sign3A_979, %sign3A_986 : i32
        %rem3A_988 = arith.remsi %add3A_970, %jit3A_971 : i32
        %ne3A_989 = arith.constant 0 : i32
        %ne3A_990 = arith.cmpi ne, %rem3A_988, %ne3A_989 : i32
        %and3A_991 = arith.andi %ne3A_987, %ne3A_990 : i1
        %sub3A_992 = arith.constant 1 : i32
        %sub3A_993 = arith.subi %div3A_972, %sub3A_992 : i32
        %select_n3A_994 = arith.select %and3A_991, %sub3A_993, %div3A_972 : i32
        %jit3A_995 = arith.constant 4 : i32
        %eq3A_996 = arith.constant 0 : i32
        %eq3A_997 = arith.cmpi eq, %jit3A_995, %eq3A_996 : i32
        %jit3A_998 = arith.constant 1 : i32
        %select_n3A_999 = arith.select %eq3A_997, %jit3A_998, %jit3A_995 : i32
        %rem3A_1000 = arith.remsi %add3A_970, %select_n3A_999 : i32
        %ne3A_1001 = arith.constant 0 : i32
        %ne3A_1002 = arith.cmpi ne, %rem3A_1000, %ne3A_1001 : i32
        %lt3A_1003 = arith.constant 0 : i32
        %lt3A_1004 = arith.cmpi slt, %rem3A_1000, %lt3A_1003 : i32
        %lt3A_1005 = arith.constant 0 : i32
        %lt3A_1006 = arith.cmpi slt, %select_n3A_999, %lt3A_1005 : i32
        %ne3A_1007 = arith.xori %lt3A_1004, %lt3A_1006 : i1
        %and3A_1008 = arith.andi %ne3A_1007, %ne3A_1002 : i1
        %add3A_1009 = arith.addi %rem3A_1000, %select_n3A_999 : i32
        %select_n3A_1010 = arith.select %and3A_1008, %add3A_1009, %rem3A_1000 : i32
        %mul3A_1011 = arith.constant 128 : i32
        %mul3A_1012 = arith.muli %select_n3A_1010, %mul3A_1011 : i32
        %dma_start3A_1013 = tpu.memref_slice %arg5[%select_n3A_994, %mul3A_1012] : memref<50x512xi32, #tpu.memory_space<vmem>> -> memref<1x128xi32, #tpu.memory_space<vmem>>
        %dma_start3A_1014 = tpu.memref_squeeze %dma_start3A_1013 : memref<1x128xi32, #tpu.memory_space<vmem>> -> memref<128xi32, #tpu.memory_space<vmem>>
        %dma_start3A_1015 = arith.constant 0 : i32
        %dma_start3A_1016 = arith.constant 0 : i32
        %dma_start3A_1017 = tpu.memref_slice %arg3[%dma_start3A_1015, %dma_start3A_1016] : memref<1000000x32xf32, #tpu.memory_space<hbm>> -> memref<1000000x32xf32, #tpu.memory_space<hbm>>
        tpu.enqueue_indirect_dma source(%dma_start3A_1017 : memref<1000000x32xf32, #tpu.memory_space<hbm>>) target(%arg9 : memref<128x32xf32, #tpu.memory_space<vmem>>) offsets(%dma_start3A_1014 : memref<128xi32, #tpu.memory_space<vmem>>) semaphore(%arg17 : memref<!tpu.dma_semaphore, #tpu.memory_space<semaphore_mem>>)
      } else {
      }
    }
    %scan3A_312 = arith.constant 50 : i32
    %jit3A_313 = arith.constant 196 : i32
    %jit3A_314 = arith.constant 4 : i32
    %div3A_315 = arith.divsi %jit3A_313, %jit3A_314 : i32
    %sign3A_316 = arith.constant 0 : i32
    %sign3A_317 = arith.cmpi sgt, %jit3A_313, %sign3A_316 : i32
    %sign3A_318 = arith.extui %sign3A_317 : i1 to i32
    %sign3A_319 = arith.constant 0 : i32
    %sign3A_320 = arith.cmpi slt, %jit3A_313, %sign3A_319 : i32
    %sign3A_321 = arith.extui %sign3A_320 : i1 to i32
    %sign3A_322 = arith.subi %sign3A_318, %sign3A_321 : i32
    %sign3A_323 = arith.constant 0 : i32
    %sign3A_324 = arith.cmpi sgt, %jit3A_314, %sign3A_323 : i32
    %sign3A_325 = arith.extui %sign3A_324 : i1 to i32
    %sign3A_326 = arith.constant 0 : i32
    %sign3A_327 = arith.cmpi slt, %jit3A_314, %sign3A_326 : i32
    %sign3A_328 = arith.extui %sign3A_327 : i1 to i32
    %sign3A_329 = arith.subi %sign3A_325, %sign3A_328 : i32
    %ne3A_330 = arith.cmpi ne, %sign3A_322, %sign3A_329 : i32
    %rem3A_331 = arith.remsi %jit3A_313, %jit3A_314 : i32
    %ne3A_332 = arith.constant 0 : i32
    %ne3A_333 = arith.cmpi ne, %rem3A_331, %ne3A_332 : i32
    %and3A_334 = arith.andi %ne3A_330, %ne3A_333 : i1
    %sub3A_335 = arith.constant 1 : i32
    %sub3A_336 = arith.subi %div3A_315, %sub3A_335 : i32
    %select_n3A_337 = arith.select %and3A_334, %sub3A_336, %div3A_315 : i32
    %jit3A_338 = arith.constant 196 : i32
    %jit3A_339 = arith.constant 4 : i32
    %eq3A_340 = arith.constant 0 : i32
    %eq3A_341 = arith.cmpi eq, %jit3A_339, %eq3A_340 : i32
    %jit3A_342 = arith.constant 1 : i32
    %select_n3A_343 = arith.select %eq3A_341, %jit3A_342, %jit3A_339 : i32
    %rem3A_344 = arith.remsi %jit3A_338, %select_n3A_343 : i32
    %ne3A_345 = arith.constant 0 : i32
    %ne3A_346 = arith.cmpi ne, %rem3A_344, %ne3A_345 : i32
    %lt3A_347 = arith.constant 0 : i32
    %lt3A_348 = arith.cmpi slt, %rem3A_344, %lt3A_347 : i32
    %lt3A_349 = arith.constant 0 : i32
    %lt3A_350 = arith.cmpi slt, %select_n3A_343, %lt3A_349 : i32
    %ne3A_351 = arith.xori %lt3A_348, %lt3A_350 : i1
    %and3A_352 = arith.andi %ne3A_351, %ne3A_346 : i1
    %add3A_353 = arith.addi %rem3A_344, %select_n3A_343 : i32
    %select_n3A_354 = arith.select %and3A_352, %add3A_353, %rem3A_344 : i32
    %add3A_355 = arith.addi %mul3A_2, %select_n3A_354 : i32
    %dma_wait3A = arith.constant 0 : i32
    %dma_wait3A_356 = arith.constant 0 : i32
    %dma_wait3A_357 = tpu.memref_slice %arg4[%select_n3A_337, %dma_wait3A, %add3A_355, %dma_wait3A_356] : memref<50x4x128x1024xf32, #tpu.memory_space<hbm>> -> memref<1x4x1x1024xf32, #tpu.memory_space<hbm>>
    %dma_wait3A_358 = tpu.memref_squeeze %dma_wait3A_357 : memref<1x4x1x1024xf32, #tpu.memory_space<hbm>> -> memref<4x1024xf32, #tpu.memory_space<hbm>>
    %dma_wait3A_359 = arith.constant 0 : i32
    %dma_wait3A_360 = arith.constant 0 : i32
    %dma_wait3A_361 = tpu.memref_slice %arg4[%select_n3A_337, %dma_wait3A_359, %add3A_355, %dma_wait3A_360] : memref<50x4x128x1024xf32, #tpu.memory_space<hbm>> -> memref<1x4x1x1024xf32, #tpu.memory_space<hbm>>
    %dma_wait3A_362 = tpu.memref_squeeze %dma_wait3A_361 : memref<1x4x1x1024xf32, #tpu.memory_space<hbm>> -> memref<4x1024xf32, #tpu.memory_space<hbm>>
    tpu.wait_dma2 semaphore(%arg18 : memref<!tpu.dma_semaphore, #tpu.memory_space<semaphore_mem>>) src(%arg10 : memref<4x1024xf32, #tpu.memory_space<vmem>>) dst(%dma_wait3A_362 : memref<4x1024xf32, #tpu.memory_space<hbm>>)
    %jit3A_363 = arith.constant 197 : i32
    %jit3A_364 = arith.constant 4 : i32
    %div3A_365 = arith.divsi %jit3A_363, %jit3A_364 : i32
    %sign3A_366 = arith.constant 0 : i32
    %sign3A_367 = arith.cmpi sgt, %jit3A_363, %sign3A_366 : i32
    %sign3A_368 = arith.extui %sign3A_367 : i1 to i32
    %sign3A_369 = arith.constant 0 : i32
    %sign3A_370 = arith.cmpi slt, %jit3A_363, %sign3A_369 : i32
    %sign3A_371 = arith.extui %sign3A_370 : i1 to i32
    %sign3A_372 = arith.subi %sign3A_368, %sign3A_371 : i32
    %sign3A_373 = arith.constant 0 : i32
    %sign3A_374 = arith.cmpi sgt, %jit3A_364, %sign3A_373 : i32
    %sign3A_375 = arith.extui %sign3A_374 : i1 to i32
    %sign3A_376 = arith.constant 0 : i32
    %sign3A_377 = arith.cmpi slt, %jit3A_364, %sign3A_376 : i32
    %sign3A_378 = arith.extui %sign3A_377 : i1 to i32
    %sign3A_379 = arith.subi %sign3A_375, %sign3A_378 : i32
    %ne3A_380 = arith.cmpi ne, %sign3A_372, %sign3A_379 : i32
    %rem3A_381 = arith.remsi %jit3A_363, %jit3A_364 : i32
    %ne3A_382 = arith.constant 0 : i32
    %ne3A_383 = arith.cmpi ne, %rem3A_381, %ne3A_382 : i32
    %and3A_384 = arith.andi %ne3A_380, %ne3A_383 : i1
    %sub3A_385 = arith.constant 1 : i32
    %sub3A_386 = arith.subi %div3A_365, %sub3A_385 : i32
    %select_n3A_387 = arith.select %and3A_384, %sub3A_386, %div3A_365 : i32
    %jit3A_388 = arith.constant 197 : i32
    %jit3A_389 = arith.constant 4 : i32
    %eq3A_390 = arith.constant 0 : i32
    %eq3A_391 = arith.cmpi eq, %jit3A_389, %eq3A_390 : i32
    %jit3A_392 = arith.constant 1 : i32
    %select_n3A_393 = arith.select %eq3A_391, %jit3A_392, %jit3A_389 : i32
    %rem3A_394 = arith.remsi %jit3A_388, %select_n3A_393 : i32
    %ne3A_395 = arith.constant 0 : i32
    %ne3A_396 = arith.cmpi ne, %rem3A_394, %ne3A_395 : i32
    %lt3A_397 = arith.constant 0 : i32
    %lt3A_398 = arith.cmpi slt, %rem3A_394, %lt3A_397 : i32
    %lt3A_399 = arith.constant 0 : i32
    %lt3A_400 = arith.cmpi slt, %select_n3A_393, %lt3A_399 : i32
    %ne3A_401 = arith.xori %lt3A_398, %lt3A_400 : i1
    %and3A_402 = arith.andi %ne3A_401, %ne3A_396 : i1
    %add3A_403 = arith.addi %rem3A_394, %select_n3A_393 : i32
    %select_n3A_404 = arith.select %and3A_402, %add3A_403, %rem3A_394 : i32
    %add3A_405 = arith.addi %mul3A_2, %select_n3A_404 : i32
    %dma_wait3A_406 = arith.constant 0 : i32
    %dma_wait3A_407 = arith.constant 0 : i32
    %dma_wait3A_408 = tpu.memref_slice %arg4[%select_n3A_387, %dma_wait3A_406, %add3A_405, %dma_wait3A_407] : memref<50x4x128x1024xf32, #tpu.memory_space<hbm>> -> memref<1x4x1x1024xf32, #tpu.memory_space<hbm>>
    %dma_wait3A_409 = tpu.memref_squeeze %dma_wait3A_408 : memref<1x4x1x1024xf32, #tpu.memory_space<hbm>> -> memref<4x1024xf32, #tpu.memory_space<hbm>>
    %dma_wait3A_410 = arith.constant 0 : i32
    %dma_wait3A_411 = arith.constant 0 : i32
    %dma_wait3A_412 = tpu.memref_slice %arg4[%select_n3A_387, %dma_wait3A_410, %add3A_405, %dma_wait3A_411] : memref<50x4x128x1024xf32, #tpu.memory_space<hbm>> -> memref<1x4x1x1024xf32, #tpu.memory_space<hbm>>
    %dma_wait3A_413 = tpu.memref_squeeze %dma_wait3A_412 : memref<1x4x1x1024xf32, #tpu.memory_space<hbm>> -> memref<4x1024xf32, #tpu.memory_space<hbm>>
    tpu.wait_dma2 semaphore(%arg19 : memref<!tpu.dma_semaphore, #tpu.memory_space<semaphore_mem>>) src(%arg11 : memref<4x1024xf32, #tpu.memory_space<vmem>>) dst(%dma_wait3A_413 : memref<4x1024xf32, #tpu.memory_space<hbm>>)
    %jit3A_414 = arith.constant 198 : i32
    %jit3A_415 = arith.constant 4 : i32
    %div3A_416 = arith.divsi %jit3A_414, %jit3A_415 : i32
    %sign3A_417 = arith.constant 0 : i32
    %sign3A_418 = arith.cmpi sgt, %jit3A_414, %sign3A_417 : i32
    %sign3A_419 = arith.extui %sign3A_418 : i1 to i32
    %sign3A_420 = arith.constant 0 : i32
    %sign3A_421 = arith.cmpi slt, %jit3A_414, %sign3A_420 : i32
    %sign3A_422 = arith.extui %sign3A_421 : i1 to i32
    %sign3A_423 = arith.subi %sign3A_419, %sign3A_422 : i32
    %sign3A_424 = arith.constant 0 : i32
    %sign3A_425 = arith.cmpi sgt, %jit3A_415, %sign3A_424 : i32
    %sign3A_426 = arith.extui %sign3A_425 : i1 to i32
    %sign3A_427 = arith.constant 0 : i32
    %sign3A_428 = arith.cmpi slt, %jit3A_415, %sign3A_427 : i32
    %sign3A_429 = arith.extui %sign3A_428 : i1 to i32
    %sign3A_430 = arith.subi %sign3A_426, %sign3A_429 : i32
    %ne3A_431 = arith.cmpi ne, %sign3A_423, %sign3A_430 : i32
    %rem3A_432 = arith.remsi %jit3A_414, %jit3A_415 : i32
    %ne3A_433 = arith.constant 0 : i32
    %ne3A_434 = arith.cmpi ne, %rem3A_432, %ne3A_433 : i32
    %and3A_435 = arith.andi %ne3A_431, %ne3A_434 : i1
    %sub3A_436 = arith.constant 1 : i32
    %sub3A_437 = arith.subi %div3A_416, %sub3A_436 : i32
    %select_n3A_438 = arith.select %and3A_435, %sub3A_437, %div3A_416 : i32
    %jit3A_439 = arith.constant 198 : i32
    %jit3A_440 = arith.constant 4 : i32
    %eq3A_441 = arith.constant 0 : i32
    %eq3A_442 = arith.cmpi eq, %jit3A_440, %eq3A_441 : i32
    %jit3A_443 = arith.constant 1 : i32
    %select_n3A_444 = arith.select %eq3A_442, %jit3A_443, %jit3A_440 : i32
    %rem3A_445 = arith.remsi %jit3A_439, %select_n3A_444 : i32
    %ne3A_446 = arith.constant 0 : i32
    %ne3A_447 = arith.cmpi ne, %rem3A_445, %ne3A_446 : i32
    %lt3A_448 = arith.constant 0 : i32
    %lt3A_449 = arith.cmpi slt, %rem3A_445, %lt3A_448 : i32
    %lt3A_450 = arith.constant 0 : i32
    %lt3A_451 = arith.cmpi slt, %select_n3A_444, %lt3A_450 : i32
    %ne3A_452 = arith.xori %lt3A_449, %lt3A_451 : i1
    %and3A_453 = arith.andi %ne3A_452, %ne3A_447 : i1
    %add3A_454 = arith.addi %rem3A_445, %select_n3A_444 : i32
    %select_n3A_455 = arith.select %and3A_453, %add3A_454, %rem3A_445 : i32
    %add3A_456 = arith.addi %mul3A_2, %select_n3A_455 : i32
    %dma_wait3A_457 = arith.constant 0 : i32
    %dma_wait3A_458 = arith.constant 0 : i32
    %dma_wait3A_459 = tpu.memref_slice %arg4[%select_n3A_438, %dma_wait3A_457, %add3A_456, %dma_wait3A_458] : memref<50x4x128x1024xf32, #tpu.memory_space<hbm>> -> memref<1x4x1x1024xf32, #tpu.memory_space<hbm>>
    %dma_wait3A_460 = tpu.memref_squeeze %dma_wait3A_459 : memref<1x4x1x1024xf32, #tpu.memory_space<hbm>> -> memref<4x1024xf32, #tpu.memory_space<hbm>>
    %dma_wait3A_461 = arith.constant 0 : i32
    %dma_wait3A_462 = arith.constant 0 : i32
    %dma_wait3A_463 = tpu.memref_slice %arg4[%select_n3A_438, %dma_wait3A_461, %add3A_456, %dma_wait3A_462] : memref<50x4x128x1024xf32, #tpu.memory_space<hbm>> -> memref<1x4x1x1024xf32, #tpu.memory_space<hbm>>
    %dma_wait3A_464 = tpu.memref_squeeze %dma_wait3A_463 : memref<1x4x1x1024xf32, #tpu.memory_space<hbm>> -> memref<4x1024xf32, #tpu.memory_space<hbm>>
    tpu.wait_dma2 semaphore(%arg20 : memref<!tpu.dma_semaphore, #tpu.memory_space<semaphore_mem>>) src(%arg12 : memref<4x1024xf32, #tpu.memory_space<vmem>>) dst(%dma_wait3A_464 : memref<4x1024xf32, #tpu.memory_space<hbm>>)
    %jit3A_465 = arith.constant 199 : i32
    %jit3A_466 = arith.constant 4 : i32
    %div3A_467 = arith.divsi %jit3A_465, %jit3A_466 : i32
    %sign3A_468 = arith.constant 0 : i32
    %sign3A_469 = arith.cmpi sgt, %jit3A_465, %sign3A_468 : i32
    %sign3A_470 = arith.extui %sign3A_469 : i1 to i32
    %sign3A_471 = arith.constant 0 : i32
    %sign3A_472 = arith.cmpi slt, %jit3A_465, %sign3A_471 : i32
    %sign3A_473 = arith.extui %sign3A_472 : i1 to i32
    %sign3A_474 = arith.subi %sign3A_470, %sign3A_473 : i32
    %sign3A_475 = arith.constant 0 : i32
    %sign3A_476 = arith.cmpi sgt, %jit3A_466, %sign3A_475 : i32
    %sign3A_477 = arith.extui %sign3A_476 : i1 to i32
    %sign3A_478 = arith.constant 0 : i32
    %sign3A_479 = arith.cmpi slt, %jit3A_466, %sign3A_478 : i32
    %sign3A_480 = arith.extui %sign3A_479 : i1 to i32
    %sign3A_481 = arith.subi %sign3A_477, %sign3A_480 : i32
    %ne3A_482 = arith.cmpi ne, %sign3A_474, %sign3A_481 : i32
    %rem3A_483 = arith.remsi %jit3A_465, %jit3A_466 : i32
    %ne3A_484 = arith.constant 0 : i32
    %ne3A_485 = arith.cmpi ne, %rem3A_483, %ne3A_484 : i32
    %and3A_486 = arith.andi %ne3A_482, %ne3A_485 : i1
    %sub3A_487 = arith.constant 1 : i32
    %sub3A_488 = arith.subi %div3A_467, %sub3A_487 : i32
    %select_n3A_489 = arith.select %and3A_486, %sub3A_488, %div3A_467 : i32
    %jit3A_490 = arith.constant 199 : i32
    %jit3A_491 = arith.constant 4 : i32
    %eq3A_492 = arith.constant 0 : i32
    %eq3A_493 = arith.cmpi eq, %jit3A_491, %eq3A_492 : i32
    %jit3A_494 = arith.constant 1 : i32
    %select_n3A_495 = arith.select %eq3A_493, %jit3A_494, %jit3A_491 : i32
    %rem3A_496 = arith.remsi %jit3A_490, %select_n3A_495 : i32
    %ne3A_497 = arith.constant 0 : i32
    %ne3A_498 = arith.cmpi ne, %rem3A_496, %ne3A_497 : i32
    %lt3A_499 = arith.constant 0 : i32
    %lt3A_500 = arith.cmpi slt, %rem3A_496, %lt3A_499 : i32
    %lt3A_501 = arith.constant 0 : i32
    %lt3A_502 = arith.cmpi slt, %select_n3A_495, %lt3A_501 : i32
    %ne3A_503 = arith.xori %lt3A_500, %lt3A_502 : i1
    %and3A_504 = arith.andi %ne3A_503, %ne3A_498 : i1
    %add3A_505 = arith.addi %rem3A_496, %select_n3A_495 : i32
    %select_n3A_506 = arith.select %and3A_504, %add3A_505, %rem3A_496 : i32
    %add3A_507 = arith.addi %mul3A_2, %select_n3A_506 : i32
    %dma_wait3A_508 = arith.constant 0 : i32
    %dma_wait3A_509 = arith.constant 0 : i32
    %dma_wait3A_510 = tpu.memref_slice %arg4[%select_n3A_489, %dma_wait3A_508, %add3A_507, %dma_wait3A_509] : memref<50x4x128x1024xf32, #tpu.memory_space<hbm>> -> memref<1x4x1x1024xf32, #tpu.memory_space<hbm>>
    %dma_wait3A_511 = tpu.memref_squeeze %dma_wait3A_510 : memref<1x4x1x1024xf32, #tpu.memory_space<hbm>> -> memref<4x1024xf32, #tpu.memory_space<hbm>>
    %dma_wait3A_512 = arith.constant 0 : i32
    %dma_wait3A_513 = arith.constant 0 : i32
    %dma_wait3A_514 = tpu.memref_slice %arg4[%select_n3A_489, %dma_wait3A_512, %add3A_507, %dma_wait3A_513] : memref<50x4x128x1024xf32, #tpu.memory_space<hbm>> -> memref<1x4x1x1024xf32, #tpu.memory_space<hbm>>
    %dma_wait3A_515 = tpu.memref_squeeze %dma_wait3A_514 : memref<1x4x1x1024xf32, #tpu.memory_space<hbm>> -> memref<4x1024xf32, #tpu.memory_space<hbm>>
    tpu.wait_dma2 semaphore(%arg21 : memref<!tpu.dma_semaphore, #tpu.memory_space<semaphore_mem>>) src(%arg13 : memref<4x1024xf32, #tpu.memory_space<vmem>>) dst(%dma_wait3A_515 : memref<4x1024xf32, #tpu.memory_space<hbm>>)
    return
  }
}

</mosaic_0001>

<sc_bundles>
// kernel: kernel.3.cloned.1.call-start
scs
__scs_entry_jumppad:
0x0: {  	(pc) =	sbr.rel $0x88, $3  }
0x1: {  	(tag) =	ssettag $0x0;
	lr =	simm.s32 $0x1  }
0x2: {  	[smem:$0x3F9F] =	sst lr;
	_ =	strace $0xD0000000  }
0x3: {  	_ = 	snop  }
0x4: {  	_ = 	snop  }
0x5: {  	_ = 	snop  }
0x6: {  	_ = 	snop  }
0x7: {  	_ = 	snop  }
__scs_overlays_trampoline_lowered:
0x8: {  	[smem:$0x3FAE] =	sst s0  }
0x9: {  	[smem:$0x3FAF] =	sst s1  }
0xa: {  	[smem:$0x3FB0] =	sst s2  }
0xb: {  	[smem:$0x3FB1] =	sst s3  }
0xc: {  	[smem:$0x3FB2] =	sst s4  }
0xd: {  	[smem:$0x3FB3] =	sst s5  }
0xe: {  	[smem:$0x3FB4] =	sst s6  }
0xf: {  	[smem:$0x3FB5] =	sst s7  }
0x10: {  	[smem:$0x3FB6] =	sst s8  }
0x11: {  	[smem:$0x3FB7] =	sst s9;
	s0 =	simm.s32 @!p0 $0x0  }
0x12: {  	s1 =	sld [smem:$0x3F9D];
	s0 =	simm.s32 @p0 $0x1  }
0x13: {  	[smem:$0x3FB8] =	sst s0;
	s0 =	simm.s32 @!p1 $0x0  }
0x14: {  	s2 =	sld [smem:$0x3F9C];
	s0 =	simm.s32 @p1 $0x1  }
0x15: {  	[smem:$0x3FB9] =	sst s0;
	s0 =	simm.s32 @!p2 $0x0  }
0x16: {  	s3 =	sld [smem:$0x3FDB];
	s0 =	simm.s32 @p2 $0x1  }
0x17: {  	s4 =	simm.s32 $0x1BF5;
	[smem:$0x3FBB] =	sst s0  }
0x18: {  	s0 =	sld [smem:$0x3F9E];
	_ =	swait.ge [sflag:s4], $0x0  }
0x19: {  	s7 =	sld [smem:$0x3F9F]  }
0x1a: {  	s8 =	sadd.s32 $0xFFFFE003, lr  }
0x1b: {  	s9 =	sadd.s32 $0xFFFFFEF7, lr;
	s5 =	simm.s32 $0xFFFFFFFF;
	p2 =	slt.u32 s8, $0xFFFFF086  }
0x1c: {  	p1 =	slt.u32 s9, $0xF7A;
	s5 =	simm.s32 @!p2 $0x0  }
0x1d: {  	s5 =	simm.s32 @p1 $0x1;
	p0 =	seq.s32 s7, s2  }
0x1e: {  	s7 =	smul.u32 @!p0 $0xF7A, s2;
	p2 =	seq.s32 @!p0 s5, $0x0  }
0x1f: {  	s9 =	smul.u32 $0xF7A, s1;
	s8 =	simm.s32 @!p0 $0x1BF5;
	p2 =	por !p2, p0  }
0x20: {  	[sflag:s8] =	ssyncset.s32 @!p0 $0xFFFFF086;
	s6 =	sadd.s32 @!p0 s3, s7;
	s7 =	simm.s32 @!p0 $0x108  }
0x21: {  	s3 =	sadd.s32 s3, s9;
	s6 =	sadd.s32 @!p0 $0x88, s6;
	s7 =	simm.s32 @p2 $0x1082  }
0x22: {  	[simem:s7], [sflag:s8] =	dma.local @!p0 [hbm:s6], $0xF7A  }
0x23: {  	s9 =	sor.u32 $0xD0000000, s2;
	s6 =	simm.s32 $0x108;
	_ =	swait.ge @!p0 [sflag:s8], $0x0  }
0x24: {  	s3 =	sadd.s32 $0x88, s3;
	s6 =	simm.s32 @!p1 $0x1082;
	[sflag:s4] =	ssyncset.s32 $0xFFFFF086  }
0x25: {  	[simem:s6], [sflag:s4] =	dma.local [hbm:s3], $0xF7A  }
0x26: {  	[smem:$0x3F9F] =	sst s1;
	(tag) =	ssettag s2;
	_ =	strace s9  }
0x27: {  	s1 =	sld [smem:$0x3FAF]  }
0x28: {  	s2 =	sld [smem:$0x3FB0]  }
0x29: {  	s4 =	sld [smem:$0x3FB2]  }
0x2a: {  	p0 =	seq.s32 s5, $0x0;
	s5 =	sld [smem:$0x3FB3]  }
0x2b: {  	s6 =	sld [smem:$0x3FB4]  }
0x2c: {  	s7 =	sld [smem:$0x3FB5]  }
0x2d: {  	s3 =	simm.s32 $0x108;
	s8 =	sld [smem:$0x3FB6]  }
0x2e: {  	s3 =	simm.s32 @!p0 $0x1082;
	s9 =	sld [smem:$0x3FB7]  }
0x2f: {  	lr =	sadd.s32 s0, s3;
	s0 =	sld [smem:$0x3FAE]  }
0x30: {  	s3 =	sld [smem:$0x3FB1]  }
0x31: {  	[smem:$0x3FBA] =	sst s10  }
0x32: {  	s10 =	sld [smem:$0x3FB8];
	_ =	sdelay $0x3  }
0x33: {  	p0 =	seq.s32 s10, $0x1;
	s10 =	sld [smem:$0x3FBA];
	_ =	sdelay $0x3  }
0x34: {  	[smem:$0x3FBA] =	sst s10  }
0x35: {  	s10 =	sld [smem:$0x3FB9];
	_ =	sdelay $0x3  }
0x36: {  	p1 =	seq.s32 s10, $0x1;
	s10 =	sld [smem:$0x3FBA];
	_ =	sdelay $0x3  }
0x37: {  	[smem:$0x3FBA] =	sst s10  }
0x38: {  	s10 =	sld [smem:$0x3FBB]  }
0x39: {  	_ = 	snop;
	(pc) =	sbr.ind lr, $3  }
0x3a: {  	_ = 	snop  }
0x3b: {  	_ = 	snop  }
0x3c: {  	p2 =	seq.s32 s10, $0x1;
	s10 =	sld [smem:$0x3FBA]  }
0x3d: {  	_ =	shalt  }
0x3e: {  	_ =	shalt  }
0x3f: {  	_ =	shalt  }
0x40: {  	_ =	shalt  }
0x41: {  	_ =	shalt  }
0x42: {  	_ =	shalt  }
0x43: {  	_ =	shalt  }
0x44: {  	_ =	shalt  }
0x45: {  	_ =	shalt  }
0x46: {  	_ =	shalt  }
0x47: {  	_ =	shalt  }
0x48: {  	_ =	shalt  }
0x49: {  	_ =	shalt  }
0x4a: {  	_ =	shalt  }
0x4b: {  	_ =	shalt  }
0x4c: {  	_ =	shalt  }
0x4d: {  	_ =	shalt  }
0x4e: {  	_ =	shalt  }
0x4f: {  	_ =	shalt  }
0x50: {  	_ =	shalt  }
0x51: {  	_ =	shalt  }
0x52: {  	_ =	shalt  }
0x53: {  	_ =	shalt  }
0x54: {  	_ =	shalt  }
0x55: {  	_ =	shalt  }
0x56: {  	_ =	shalt  }
0x57: {  	_ =	shalt  }
0x58: {  	_ =	shalt  }
0x59: {  	_ =	shalt  }
0x5a: {  	_ =	shalt  }
0x5b: {  	_ =	shalt  }
0x5c: {  	_ =	shalt  }
0x5d: {  	_ =	shalt  }
0x5e: {  	_ =	shalt  }
0x5f: {  	_ =	shalt  }
0x60: {  	_ =	shalt  }
0x61: {  	_ =	shalt  }
0x62: {  	_ =	shalt  }
0x63: {  	_ =	shalt  }
0x64: {  	_ =	shalt  }
0x65: {  	_ =	shalt  }
0x66: {  	_ =	shalt  }
0x67: {  	_ =	shalt  }
0x68: {  	_ =	shalt  }
0x69: {  	_ =	shalt  }
0x6a: {  	_ =	shalt  }
0x6b: {  	_ =	shalt  }
0x6c: {  	_ =	shalt  }
0x6d: {  	_ =	shalt  }
0x6e: {  	_ =	shalt  }
0x6f: {  	_ =	shalt  }
0x70: {  	_ =	shalt  }
0x71: {  	_ =	shalt  }
0x72: {  	_ =	shalt  }
0x73: {  	_ =	shalt  }
0x74: {  	_ =	shalt  }
0x75: {  	_ =	shalt  }
0x76: {  	_ =	shalt  }
0x77: {  	_ =	shalt  }
0x78: {  	_ =	shalt  }
0x79: {  	_ =	shalt  }
0x7a: {  	_ =	shalt  }
0x7b: {  	_ =	shalt  }
0x7c: {  	_ =	shalt  }
0x7d: {  	_ =	shalt  }
0x7e: {  	_ =	shalt  }
0x7f: {  	_ =	shalt  }
0x80: {  	_ =	shalt  }
0x81: {  	_ =	shalt  }
0x82: {  	_ =	shalt  }
0x83: {  	_ =	shalt  }
0x84: {  	_ =	shalt  }
0x85: {  	_ =	shalt  }
0x86: {  	_ =	shalt  }
0x87: {  	_ =	shalt  }
.Lfunc_end0:
.L_simem_size_0:
called_computation_lowered:
.L_overlay_start_0:
0x88: {  	s2 =	sld [smem:$0x3FD9]  }
0x89: {  	s3 =	sld [smem:$0x3FFE];
	_ =	sdelay $0x1  }
0x8a: {  	s1 =	srdreg.scid  }
0x8b: {  	s0 =	sand.u32 $0x1, s1  }
0x8c: {  	s17 =	sshll.u32 s0, $0xA;
	s2 =	sadd.s32 s3, s2  }
0x8d: {  	s2 =	sadd.s32 s2, s17  }
0x8e: {  	[smem:$0x3FC6] =	sst s2  }
0x8f: {  	_ = 	snop  }
0x90: {  	s2 =	sld [smem:$0x3FD0];
	(tm) =	ssettm $0x1  }
0x91: {  	s18 =	sld [smem:$0x3FFB];
	_ =	sdelay $0x3  }
0x92: {  	_ =	strace s18  }
0x93: {  	s3 =	sld [smem:$0x3FFC];
	_ =	sdelay $0x3  }
0x94: {  	_ =	strace s3  }
0x95: {  	s3 =	sld [smem:$0x3FFD];
	_ =	sdelay $0x3  }
0x96: {  	_ =	strace s3  }
0x97: {  	_ =	strace $0x8FFFFFFF  }
0x98: {  	s19 =	sld [smem:$0x3FDB];
	_ =	sdelay $0x1  }
0x99: {  	s4 =	simm.s32 $_scs_section_size  }
0x9a: {  	s5 =	simm.s32 $_size__tile_overlayer_lowered;
	s6 =	simm.s32 $_tile_overlayer_lowered  }
0x9b: {  	s22 =	simm.s32 $0x1BFF;
	s21 =	sshll.u32 s6, $0x1;
	s3 =	sadd.s32 s4, s19  }
0x9c: {  	s7 =	simm.s32 $0x0;
	s20 =	sshll.u32 s5, $0x1;
	s5 =	sadd.s32 s21, s3  }
0x9d: {  	[timem:s7], [sflag:s22] =	dma.local [hbm:s5], s20  }
0x9e: {  	_ =	swait.ge [sflag:s22], s20  }
0x9f: {  	s4 =	ssub.s32 $0x0, s20;
	[sflag:s22] =	ssyncset.done $0x0  }
0xa0: {  	[sflag:s22] =	ssyncadd.s32 s4;
	_ =	sdelay $0x1  }
0xa1: {  	s23 =	simm.s32 $0x1B8B  }
0xa2: {  	_ =	swait.ge [sflag:s23], $0x1  }
0xa3: {  	[sflag:s23] =	ssyncset.done $0x0  }
0xa4: {  	s25 =	simm.s32 $0x1B8E;
	s24 =	sld [smem:$0x3FFE];
	[sflag:s23] =	ssyncadd.s32 $0xFFFFFFFF  }
0xa5: {  	s26 =	simm.s32 $execute0_lowered;
	[smem:$0x3FD2] =	sst s25  }
0xa6: {  	s5 =	sshll.u32 s26, $0x1;
	_ =	strace $0x80000046;
	[dreg:$0x1] =	wrdreg $0xFFFFFFFF  }
0xa7: {  	s28 =	simm.s32 $_size_execute0_lowered;
	s3 =	sadd.s32 s3, s5;
	[dreg:$0x0] =	wrdreg $0x0  }
0xa8: {  	s5 =	sshll.u32 s28, $0x1;
	[dreg:$0x2] =	wrdreg s3  }
0xa9: {  	[dreg:$0x3] =	wrdreg s5  }
0xaa: {  	[dreg:$0x4] =	wrdreg $0xC0  }
0xab: {  	_ =	task [dreg:s7], $0x5FFFF  }
0xac: {  	[dreg:$0x1] =	wrdreg $0xFFFFFFFF  }
0xad: {  	[dreg:$0x0] =	wrdreg $0x60  }
0xae: {  	[dreg:$0x2] =	wrdreg s24  }
0xaf: {  	[dreg:$0x3] =	wrdreg s2  }
0xb0: {  	[dreg:$0x4] =	wrdreg $0x9  }
0xb1: {  	_ =	task.clear_ibuf [dreg:s7], $0x5FFFF;
	_ =	strace $0x90000046  }
0xb2: {  	s29 =	simm.s32 $0x9;
	_ =	strace $0x80000048  }
0xb3: {  	_ =	swait.ge [sflag:s29], $0x1  }
0xb4: {  	[sflag:s29] =	ssyncadd.s32 $0xFFFFFFFF  }
0xb5: {  	_ =	strace $0x90000048  }
0xb6: {  	_ =	sfence  }
0xb7: {  	s30 =	sld [smem:$0x0];
	_ =	sdelay $0x2  }
0xb8: {  	s31 =	sshll.u32 s1, $0xD;
	s1 =	sshrl.u32 s1, $0x2  }
0xb9: {  	s3 =	sand.u32 $0x4000, s31;
	s1 =	sadd.s32 s1, s30  }
0xba: {  	s0 =	sor.u32 s3, s0;
	s1 =	sshll.u32 s1, $0x11  }
0xbb: {  	s0 =	sor.u32 s1, s0  }
0xbc: {  	s0 =	sadd.s32 $0x8F2B, s0  }
0xbd: {  	[sflag:s0] =	ssyncadd.remote.s32 $0x1  }
0xbe: {  	_ =	sfence.sel $0xFFFF  }
0xbf: {  	[dreg:$0x0] =	wrdreg $0xFFFFFFFF;
	(pc) =	sbr.abs _section_cstart, $3  }
0xc0: {  	[dreg:$0x1] =	wrdreg $0xFFFFFFFF  }
0xc1: {  	_ =	task.clear_ibuf [dreg:s7], $0x2FFFF;
	_ =	strace $0x9FFFFFFF  }
0xc2: {  	(tm) =	ssettm $0x7FFFFFFF  }
0xc3: {  	_ =	shalt  }
tec
execute0_lowered:
.L_overlay_start_1:
0x0: {  	(tag) =	ssettag $0x1  }
0x1: {  	s0 =	rddreg [dreg:$0x0]  }
0x2: {  	s1 =	rddreg [dreg:$0x1];
	s2 =	srdreg.scid  }
0x3: {  	s3 =	stileid.u32;
	s4 =	simm.s32 $0x0;
	s13 =	simm.s32 $0x80  }
0x4: {  	s20 =	simm.s32 $0x1;
	s21 =	simm.s32 $0xA400;
	s28 =	simm.s32 $0x3  }
0x5: {  	s29 =	simm.s32 $0x7;
	s30 =	simm.s32 $0xC400;
	s31 =	simm.s32 $0x4  }
0x6: {  	s2 =	sand.u32 $0x1, s2;
	s3 =	sshll.u32 s3, $0x1;
	[smem:$0x7FF] =	sst s4  }
0x7: {  	s3 =	sor.u32 s2, s3;
	_ =	strace $0x80000047;
	s2 =	ssub.s32 $0x2, s2  }
0x8: {  	v0 =	vlaneseq.u32;
	s22 =	sshll.u32 s3, $0x6;
	s23 =	sshrl.u32 s2, $0x1;
	s6 =	sshll.u32 s3, $0x9  }
0x9: {  	v0 =	vmul.u32 $0x80, v0;
	s3 =	sadd.s32 $0xF42A00, s0;
	s5 =	sadd.s32 s22, s0;
	s24 =	ssub.s32 s2, s23  }
0xa: {  	s4 =	sadd.s32 s1, s6;
	s22 =	simm.s32 $0x400;
	s23 =	simm.s32 $0x20000  }
.Ltmp0:
0xb: {  	v1 =	vor.u32 $0x800, v0;
	v2 =	vor.u32 $0x1, v0;
	v3 =	vor.u32 $0x801, v0;
	s1 =	simm.s32 $0xD400;
	s25 =	sadd.s32 $0x600, s5;
	(pc) =	sbr.rel .LBB2_1-.Ltmp0, $4  }
0xc: {  	v4 =	vor.u32 $0x2, v0;
	v5 =	vor.u32 $0x802, v0;
	v6 =	vor.u32 $0x3, v0;
	s26 =	sadd.s32 $0x80, s4;
	s7 =	sadd.s32 $0x100, s4;
	[dreg:$0x3] =	wrdreg s25  }
0xd: {  	v7 =	vor.u32 $0x803, v0;
	v8 =	vor.u32 $0x4, v0;
	v9 =	vor.u32 $0x804, v0;
	s8 =	sadd.s32 $0x180, s4;
	s0 =	smax.u32 s24, $0x1;
	[dreg:$0x4] =	wrdreg s26  }
0xe: {  	v10 =	vor.u32 $0x5, v0;
	v11 =	vor.u32 $0x805, v0;
	v12 =	vor.u32 $0x6, v0;
	s24 =	simm.s32 $0x2;
	s5 =	simm.s32 $0x0;
	[dreg:$0x5] =	wrdreg s0  }
0xf: {  	v13 =	vor.u32 $0x806, v0;
	v14 =	vor.u32 $0x7, v0;
	v15 =	vor.u32 $0x807, v0;
	s25 =	simm.s32 $0x6;
	s26 =	simm.s32 $0xB400;
	s0 =	simm.s32 $0x8  }
.LBB2_24:
0x10: {  	s2 =	simm.s32 $0x5  }
0x11: {  	_ =	swait.ge [sflag:s2], $0x1000  }
0x12: {  	[sflag:s2] =	ssyncset.done $0x0  }
0x13: {  	[sflag:s2] =	ssyncadd.s32 $0xFFFFF000  }
0x14: {  	_ =	swait.ge [sflag:s25], $0x1000  }
0x15: {  	[sflag:s25] =	ssyncset.done $0x0  }
0x16: {  	[sflag:s25] =	ssyncadd.s32 $0xFFFFF000  }
0x17: {  	_ =	swait.ge [sflag:s29], $0x1000  }
0x18: {  	[sflag:s29] =	ssyncset.done $0x0  }
0x19: {  	[sflag:s29] =	ssyncadd.s32 $0xFFFFF000  }
0x1a: {  	_ =	swait.ge [sflag:s0], $0x1000  }
0x1b: {  	s5 =	rddreg [dreg:$0x6]  }
0x1c: {  	s19 =	rddreg [dreg:$0x5];
	s5 =	sadd.s32 $0x1, s5  }
0x1d: {  	p0 =	sne.s32 s5, s19  }
.Ltmp1:
0x1e: {  	_ = 	snop;
	(pc) =	sbr.rel @!p0 .LBB2_25-.Ltmp1, $3  }
0x1f: {  	_ =	sdelay $0x1  }
0x20: {  	[sflag:s0] =	ssyncset.done $0x0  }
0x21: {  	[sflag:s0] =	ssyncadd.s32 $0xFFFFF000  }
.LBB2_1:
0x22: {  	[dreg:$0x6] =	wrdreg s5  }
0x23: {  	s2 =	simm.s32 $0x0;
	s11 =	rddreg [dreg:$0x3]  }
0x24: {  	s6 =	simm.s32 $0x200;
	s9 =	simm.s32 $0x4000;
	s12 =	simm.s32 $0x9  }
0x25: {  	[tilespmem:s2], [sflag:$0x9] =	stream.strided.gather [hbm4b:s11+s6], $0x6400, s9, s6, $0x38;
	[tilespmem:$0xE400] =	vst v63  }
0x26: {  	_ =	swait.ge [sflag:s12], $0x6400  }
0x27: {  	[sflag:s12] =	ssyncset.done $0x0  }
0x28: {  	s14 =	simm.s32 $0x6400;
	[sflag:s12] =	ssyncadd.s32 $0xFFFF9C00  }
0x29: {  	[tilespmem:s14], [sflag:$0x1] =	stream.indirect.gather [hbm4b:s3+s13], $0x20, s2, s13, $0xb8;
	[tilespmem:$0xE400] =	vst v63  }
0x2a: {  	s15 =	simm.s32 $0x7400  }
0x2b: {  	[tilespmem:s15], [sflag:$0x2] =	stream.indirect.gather [hbm4b:s3+s13], $0x20, s13, s13, $0xb8;
	[tilespmem:$0xE400] =	vst v63  }
0x2c: {  	s16 =	simm.s32 $0x100;
	s17 =	simm.s32 $0x8400  }
0x2d: {  	[tilespmem:s17], [sflag:$0x3] =	stream.indirect.gather [hbm4b:s3+s13], $0x20, s16, s13, $0xb8;
	[tilespmem:$0xE400] =	vst v63  }
0x2e: {  	s18 =	simm.s32 $0x180;
	s19 =	simm.s32 $0x9400;
	s16 =	simm.s32 $0x0  }
0x2f: {  	[tilespmem:s19], [sflag:$0x4] =	stream.indirect.gather [hbm4b:s3+s13], $0x20, s18, s13, $0xb8;
	[tilespmem:$0xE400] =	vst v63  }
.LBB2_2:
0x30: {  	_ =	swait.ge [sflag:s20], $0x1000  }
0x31: {  	p0 =	seq.s32 s16, $0x0;
	[sflag:s20] =	ssyncset.done $0x0  }
0x32: {  	s2 =	simm.s32 @!p0 $0x5;
	[sflag:s20] =	ssyncadd.s32 $0xFFFFF000  }
0x33: {  	_ =	swait.ge @!p0 [sflag:s2], $0x1000  }
0x34: {  	[sflag:s2] =	ssyncset.done @!p0 $0x0  }
0x35: {  	s19 =	simm.s32 $0x6480;
	s9 =	simm.s32 $0x1;
	[sflag:s2] =	ssyncadd.s32 @!p0 $0xFFFFF000  }
0x36: {  	s10 =	simm.s32 $0x2;
	v19 =	vor.u32 s9, v2;
	v18 =	vld [tilespmem:s19+$0xFFFFFFA0]  }
0x37: {  	s5 =	simm.s32 $0x7;
	v21 =	vor.u32 s10, v4;
	v20 =	vld [tilespmem:s19+$0xFFFFFFC0]  }
0x38: {  	s12 =	simm.s32 $0x3;
	v17 =	vor.u32 s5, v14;
	v16 =	vld [tilespmem:s19+$0x60]  }
0x39: {  	s11 =	simm.s32 $0x4;
	v23 =	vor.u32 s12, v6;
	v22 =	vld [tilespmem:s19+$0xFFFFFFE0]  }
0x3a: {  	s14 =	simm.s32 $0x5;
	v25 =	vor.u32 s11, v8;
	v24 =	vld [tilespmem:s19+$0x0]  }
0x3b: {  	s15 =	simm.s32 $0x6;
	v27 =	vor.u32 s14, v10;
	v26 =	vld [tilespmem:s19+$0x20];
	[tilespmem:v19+s21+$0x0] =	vst.idx.msk $0xffff, v18  }
0x3c: {  	s17 =	simm.s32 $0x0;
	[tilespmem:v21+s21+$0x0] =	vst.idx.msk $0xffff, v20;
	v18 =	vld [tilespmem:s19+$0x40];
	v20 =	vor.u32 s15, v12  }
0x3d: {  	v28 =	vor.u32 s17, v0;
	[tilespmem:v17+s21+$0x0] =	vst.idx.msk $0xffff, v16;
	v21 =	vld [tilespmem:s19+$0xFFFFFF80]  }
0x3e: {  	v17 =	vor.u32 s5, v15;
	[tilespmem:v23+s21+$0x0] =	vst.idx.msk $0xffff, v22;
	v16 =	vld [tilespmem:s19+$0x70]  }
0x3f: {  	v30 =	vor.u32 s9, v3;
	[tilespmem:v25+s21+$0x0] =	vst.idx.msk $0xffff, v24;
	v29 =	vld [tilespmem:s19+$0xFFFFFFB0]  }
0x40: {  	v32 =	vor.u32 s10, v5;
	[tilespmem:v27+s21+$0x0] =	vst.idx.msk $0xffff, v26;
	v31 =	vld [tilespmem:s19+$0xFFFFFFD0]  }
0x41: {  	v25 =	vor.u32 s12, v7;
	v23 =	vld [tilespmem:s19+$0xFFFFFFF0];
	[tilespmem:v20+s21+$0x0] =	vst.idx.msk $0xffff, v18  }
0x42: {  	v24 =	vor.u32 s11, v9;
	v19 =	vld [tilespmem:s19+$0x10];
	[tilespmem:v28+s21+$0x0] =	vst.idx.msk $0xffff, v21  }
0x43: {  	v22 =	vor.u32 s14, v11;
	[tilespmem:v17+s21+$0x0] =	vst.idx.msk $0xffff, v16;
	v16 =	vld [tilespmem:s19+$0x30]  }
0x44: {  	s18 =	simm.s32 $0x8;
	v20 =	vor.u32 s15, v13;
	[tilespmem:v30+s21+$0x0] =	vst.idx.msk $0xffff, v29;
	v17 =	vld [tilespmem:s19+$0x50]  }
0x45: {  	s9 =	simm.s32 $0xF;
	s2 =	simm.s32 $0x6580;
	s5 =	simm.s32 $0x10;
	v21 =	vor.u32 s17, v1;
	v18 =	vld [tilespmem:s19+$0xFFFFFF90];
	[tilespmem:v32+s21+$0x0] =	vst.idx.msk $0xffff, v31  }
.LBB2_3:
0x46: {  	p1 =	slt.u32 s5, $0x78;
	s10 =	sadd.s32 $0x1, s18;
	v26 =	vld [tilespmem:s2+$0x60];
	v27 =	vor.u32 s9, v14;
	[tilespmem:v25+s21+$0x0] =	vst.idx.msk $0xffff, v23;
	s12 =	smov.u32 s18  }
0x47: {  	s18 =	smov.u32 s5;
	v23 =	vld [tilespmem:s2+$0xFFFFFFA0];
	v25 =	vor.u32 s10, v2;
	s11 =	sadd.s32 $0x2, s12;
	[tilespmem:v24+s21+$0x0] =	vst.idx.msk $0xffff, v19  }
0x48: {  	s14 =	sadd.s32 $0x3, s12;
	v19 =	vld [tilespmem:s2+$0xFFFFFFC0];
	v24 =	vor.u32 s11, v4;
	[tilespmem:v22+s21+$0x0] =	vst.idx.msk $0xffff, v16  }
0x49: {  	s15 =	sadd.s32 $0x4, s12;
	v22 =	vor.u32 s14, v6;
	v16 =	vld [tilespmem:s2+$0xFFFFFFE0];
	[tilespmem:v20+s21+$0x0] =	vst.idx.msk $0xffff, v17  }
0x4a: {  	s17 =	sadd.s32 $0x5, s12;
	v20 =	vor.u32 s15, v8;
	v17 =	vld [tilespmem:s2+$0x0];
	[tilespmem:v21+s21+$0x0] =	vst.idx.msk $0xffff, v18  }
0x4b: {  	v21 =	vor.u32 s17, v10;
	v18 =	vld [tilespmem:s2+$0x20];
	[tilespmem:v27+s21+$0x0] =	vst.idx.msk $0xffff, v26  }
0x4c: {  	s19 =	sadd.s32 $0x6, s12;
	v27 =	vor.u32 s9, v15;
	[tilespmem:v25+s21+$0x0] =	vst.idx.msk $0xffff, v23;
	v26 =	vld [tilespmem:s2+$0x70]  }
0x4d: {  	v29 =	vor.u32 s19, v12;
	[tilespmem:v24+s21+$0x0] =	vst.idx.msk $0xffff, v19;
	v28 =	vld [tilespmem:s2+$0x40]  }
0x4e: {  	v31 =	vor.u32 s12, v0;
	v30 =	vld [tilespmem:s2+$0xFFFFFF80];
	[tilespmem:v22+s21+$0x0] =	vst.idx.msk $0xffff, v16  }
0x4f: {  	v33 =	vor.u32 s10, v3;
	v32 =	vld [tilespmem:s2+$0xFFFFFFB0];
	[tilespmem:v20+s21+$0x0] =	vst.idx.msk $0xffff, v17  }
0x50: {  	v35 =	vor.u32 s11, v5;
	v34 =	vld [tilespmem:s2+$0xFFFFFFD0];
	[tilespmem:v21+s21+$0x0] =	vst.idx.msk $0xffff, v18  }
.Ltmp2:
0x51: {  	v25 =	vor.u32 s14, v7;
	v23 =	vld [tilespmem:s2+$0xFFFFFFF0];
	[tilespmem:v27+s21+$0x0] =	vst.idx.msk $0xffff, v26;
	(pc) =	sbr.rel @p1 .LBB2_3-.Ltmp2, $4  }
0x52: {  	v24 =	vor.u32 s15, v9;
	v19 =	vld [tilespmem:s2+$0x10];
	[tilespmem:v29+s21+$0x0] =	vst.idx.msk $0xffff, v28  }
0x53: {  	v22 =	vor.u32 s17, v11;
	[tilespmem:v31+s21+$0x0] =	vst.idx.msk $0xffff, v30;
	v16 =	vld [tilespmem:s2+$0x30]  }
0x54: {  	v20 =	vor.u32 s19, v13;
	[tilespmem:v33+s21+$0x0] =	vst.idx.msk $0xffff, v32;
	v17 =	vld [tilespmem:s2+$0x50]  }
0x55: {  	s5 =	sadd.s32 $0x8, s5;
	s9 =	sadd.s32 $0x7, s18;
	v21 =	vor.u32 s12, v1;
	v18 =	vld [tilespmem:s2+$0xFFFFFF90];
	[tilespmem:v35+s21+$0x0] =	vst.idx.msk $0xffff, v34;
	s2 =	sadd.s32 $0x100, s2  }
0x56: {  	_ =	sdelay $0x3  }
0x57: {  	v26 =	vld [tilespmem:s2+$0x60];
	v27 =	vor.u32 s9, v14;
	[tilespmem:v25+s21+$0x0] =	vst.idx.msk $0xffff, v23  }
0x58: {  	s5 =	sadd.s32 $0x1, s18;
	v52 =	vld [tilespmem:s2+$0xFFFFFF80];
	v53 =	vor.u32 s18, v0;
	[tilespmem:v24+s21+$0x0] =	vst.idx.msk $0xffff, v19  }
0x59: {  	v40 =	vld [tilespmem:s2+$0xFFFFFFA0];
	s10 =	sadd.s32 $0x2, s18;
	v41 =	vor.u32 s5, v2;
	[tilespmem:v22+s21+$0x0] =	vst.idx.msk $0xffff, v16  }
0x5a: {  	v42 =	vld [tilespmem:s2+$0xFFFFFFC0];
	s14 =	sadd.s32 $0x5, s18;
	v43 =	vor.u32 s10, v4;
	[tilespmem:v20+s21+$0x0] =	vst.idx.msk $0xffff, v17  }
0x5b: {  	s11 =	sadd.s32 $0x3, s18;
	v46 =	vld [tilespmem:s2+$0x20];
	v47 =	vor.u32 s14, v10;
	[tilespmem:v21+s21+$0x0] =	vst.idx.msk $0xffff, v18  }
0x5c: {  	s15 =	sadd.s32 $0x6, s18;
	v44 =	vor.u32 s11, v6;
	v16 =	vld [tilespmem:s2+$0xFFFFFFE0];
	[tilespmem:v27+s21+$0x0] =	vst.idx.msk $0xffff, v26  }
0x5d: {  	s12 =	sadd.s32 $0x4, s18;
	v50 =	vld [tilespmem:s2+$0x40];
	v51 =	vor.u32 s15, v12;
	[tilespmem:v53+s21+$0x0] =	vst.idx.msk $0xffff, v52  }
0x5e: {  	v45 =	vor.u32 s12, v8;
	v17 =	vld [tilespmem:s2+$0x0];
	[tilespmem:v41+s21+$0x0] =	vst.idx.msk $0xffff, v40  }
0x5f: {  	v49 =	vor.u32 s9, v15;
	v48 =	vld [tilespmem:s2+$0x70];
	[tilespmem:v43+s21+$0x0] =	vst.idx.msk $0xffff, v42  }
0x60: {  	v63 =	vor.u32 s18, v1;
	[tilespmem:v47+s21+$0x0] =	vst.idx.msk $0xffff, v46;
	v26 =	vld [tilespmem:s2+$0xFFFFFF90]  }
0x61: {  	v54 =	vor.u32 s5, v3;
	[tilespmem:v44+s21+$0x0] =	vst.idx.msk $0xffff, v16;
	v16 =	vld [tilespmem:s2+$0xFFFFFFB0]  }
0x62: {  	v61 =	vor.u32 s14, v11;
	[tilespmem:v51+s21+$0x0] =	vst.idx.msk $0xffff, v50;
	v60 =	vld [tilespmem:s2+$0x30]  }
0x63: {  	v55 =	vor.u32 s10, v5;
	[tilespmem:v45+s21+$0x0] =	vst.idx.msk $0xffff, v17;
	v17 =	vld [tilespmem:s2+$0xFFFFFFD0]  }
0x64: {  	v57 =	vor.u32 s11, v7;
	v56 =	vld [tilespmem:s2+$0xFFFFFFF0];
	[tilespmem:v49+s21+$0x0] =	vst.idx.msk $0xffff, v48  }
0x65: {  	v59 =	vor.u32 s12, v9;
	v58 =	vld [tilespmem:s2+$0x10];
	[tilespmem:v63+s21+$0x0] =	vst.idx.msk $0xffff, v26  }
0x66: {  	v62 =	vor.u32 s15, v13;
	[tilespmem:v54+s21+$0x0] =	vst.idx.msk $0xffff, v16;
	v16 =	vld [tilespmem:s2+$0x50]  }
0x67: {  	p1 =	sne.s32 s16, $0x31;
	[tilespmem:v61+s21+$0x0] =	vst.idx.msk $0xffff, v60  }
.Ltmp3:
0x68: {  	[tilespmem:v55+s21+$0x0] =	vst.idx.msk $0xffff, v17;
	(pc) =	sbr.rel @p1 .LBB2_6-.Ltmp3, $4  }
0x69: {  	[tilespmem:v57+s21+$0x0] =	vst.idx.msk $0xffff, v56  }
0x6a: {  	s18 =	sshll.u32 s16, $0x10;
	[tilespmem:v59+s21+$0x0] =	vst.idx.msk $0xffff, v58  }
0x6b: {  	s19 =	sadd.s32 s18, s4;
	[tilespmem:v62+s21+$0x0] =	vst.idx.msk $0xffff, v16  }
0x6c: {  	[hbm4b:s19+s22] =	stream.strided.scatter [tilespmem:s21], [sflag:$0x5], $0x1000, s23, s22, $0x38;
	[tilespmem:$0xE400] =	vst v63  }
.Ltmp4:
0x6d: {  	(pc) =	sbr.rel .LBB2_7-.Ltmp4, $4  }
0x6e: {  	_ = 	snop  }
0x6f: {  	_ =	swait.ge [sflag:s24], $0x1000  }
0x70: {  	[sflag:s24] =	ssyncset.done $0x0  }
0x71: {  	[sflag:s24] =	ssyncadd.s32 $0xFFFFF000  }
.LBB2_6:
0x72: {  	s2 =	sshll.u32 s16, $0x9  }
0x73: {  	s2 =	sand.u32 $0x3FFFFE00, s2  }
.Ltmp5:
0x74: {  	s5 =	simm.s32 $0x6400;
	s2 =	sadd.s32 $0x200, s2;
	(pc) =	sbr.rel @p0 .LBB2_8-.Ltmp5, $4  }
0x75: {  	[tilespmem:s5], [sflag:$0x1] =	stream.indirect.gather [hbm4b:s3+s13], $0x20, s2, s13, $0xb8;
	[tilespmem:$0xE400] =	vst v63  }
0x76: {  	_ =	swait.ge [sflag:s24], $0x1000  }
0x77: {  	[sflag:s24] =	ssyncset.done $0x0  }
0x78: {  	[sflag:s24] =	ssyncadd.s32 $0xFFFFF000  }
.LBB2_7:
0x79: {  	_ =	swait.ge [sflag:s25], $0x1000  }
0x7a: {  	[sflag:s25] =	ssyncset.done $0x0  }
0x7b: {  	[sflag:s25] =	ssyncadd.s32 $0xFFFFF000  }
.LBB2_8:
0x7c: {  	s5 =	simm.s32 $0x7480;
	s9 =	simm.s32 $0x1  }
0x7d: {  	s10 =	simm.s32 $0x2;
	v18 =	vld [tilespmem:s5+$0xFFFFFFA0];
	v19 =	vor.u32 s9, v2  }
0x7e: {  	s2 =	simm.s32 $0x7;
	v20 =	vld [tilespmem:s5+$0xFFFFFFC0];
	v21 =	vor.u32 s10, v4  }
0x7f: {  	s11 =	simm.s32 $0x3;
	v16 =	vld [tilespmem:s5+$0x60];
	v17 =	vor.u32 s2, v14  }
0x80: {  	s12 =	simm.s32 $0x4;
	v22 =	vld [tilespmem:s5+$0xFFFFFFE0];
	v23 =	vor.u32 s11, v6  }
0x81: {  	s14 =	simm.s32 $0x5;
	v24 =	vld [tilespmem:s5+$0x0];
	v25 =	vor.u32 s12, v8  }
0x82: {  	s15 =	simm.s32 $0x6;
	v26 =	vld [tilespmem:s5+$0x20];
	v27 =	vor.u32 s14, v10;
	[tilespmem:v19+s26+$0x0] =	vst.idx.msk $0xffff, v18  }
0x83: {  	s17 =	simm.s32 $0x0;
	[tilespmem:v21+s26+$0x0] =	vst.idx.msk $0xffff, v20;
	v18 =	vld [tilespmem:s5+$0x40];
	v20 =	vor.u32 s15, v12  }
0x84: {  	v28 =	vor.u32 s17, v0;
	[tilespmem:v17+s26+$0x0] =	vst.idx.msk $0xffff, v16;
	v21 =	vld [tilespmem:s5+$0xFFFFFF80]  }
0x85: {  	v17 =	vor.u32 s2, v15;
	[tilespmem:v23+s26+$0x0] =	vst.idx.msk $0xffff, v22;
	v16 =	vld [tilespmem:s5+$0x70]  }
0x86: {  	v30 =	vor.u32 s9, v3;
	[tilespmem:v25+s26+$0x0] =	vst.idx.msk $0xffff, v24;
	v29 =	vld [tilespmem:s5+$0xFFFFFFB0]  }
0x87: {  	v32 =	vor.u32 s10, v5;
	[tilespmem:v27+s26+$0x0] =	vst.idx.msk $0xffff, v26;
	v31 =	vld [tilespmem:s5+$0xFFFFFFD0]  }
0x88: {  	v25 =	vor.u32 s11, v7;
	v23 =	vld [tilespmem:s5+$0xFFFFFFF0];
	[tilespmem:v20+s26+$0x0] =	vst.idx.msk $0xffff, v18  }
0x89: {  	v24 =	vor.u32 s12, v9;
	v19 =	vld [tilespmem:s5+$0x10];
	[tilespmem:v28+s26+$0x0] =	vst.idx.msk $0xffff, v21  }
0x8a: {  	v22 =	vor.u32 s14, v11;
	[tilespmem:v17+s26+$0x0] =	vst.idx.msk $0xffff, v16;
	v16 =	vld [tilespmem:s5+$0x30]  }
0x8b: {  	s9 =	simm.s32 $0x10;
	v20 =	vor.u32 s15, v13;
	[tilespmem:v30+s26+$0x0] =	vst.idx.msk $0xffff, v29;
	v17 =	vld [tilespmem:s5+$0x50]  }
0x8c: {  	s2 =	simm.s32 $0x8;
	s12 =	simm.s32 $0xF;
	v21 =	vor.u32 s17, v1;
	v18 =	vld [tilespmem:s5+$0xFFFFFF90];
	[tilespmem:v32+s26+$0x0] =	vst.idx.msk $0xffff, v31;
	s5 =	simm.s32 $0x7580  }
.LBB2_9:
0x8d: {  	p2 =	slt.u32 s9, $0x78;
	s11 =	sadd.s32 $0x1, s2;
	v26 =	vld [tilespmem:s5+$0x60];
	v27 =	vor.u32 s12, v14;
	[tilespmem:v25+s26+$0x0] =	vst.idx.msk $0xffff, v23;
	s10 =	smov.u32 s2  }
0x8e: {  	s2 =	smov.u32 s9;
	v23 =	vld [tilespmem:s5+$0xFFFFFFA0];
	v25 =	vor.u32 s11, v2;
	s14 =	sadd.s32 $0x2, s10;
	[tilespmem:v24+s26+$0x0] =	vst.idx.msk $0xffff, v19  }
0x8f: {  	s15 =	sadd.s32 $0x3, s10;
	v19 =	vld [tilespmem:s5+$0xFFFFFFC0];
	v24 =	vor.u32 s14, v4;
	[tilespmem:v22+s26+$0x0] =	vst.idx.msk $0xffff, v16  }
0x90: {  	s17 =	sadd.s32 $0x4, s10;
	v22 =	vor.u32 s15, v6;
	v16 =	vld [tilespmem:s5+$0xFFFFFFE0];
	[tilespmem:v20+s26+$0x0] =	vst.idx.msk $0xffff, v17  }
0x91: {  	s19 =	sadd.s32 $0x5, s10;
	v20 =	vor.u32 s17, v8;
	v17 =	vld [tilespmem:s5+$0x0];
	[tilespmem:v21+s26+$0x0] =	vst.idx.msk $0xffff, v18  }
0x92: {  	v21 =	vor.u32 s19, v10;
	v18 =	vld [tilespmem:s5+$0x20];
	[tilespmem:v27+s26+$0x0] =	vst.idx.msk $0xffff, v26  }
0x93: {  	s6 =	sadd.s32 $0x6, s10;
	v27 =	vor.u32 s12, v15;
	[tilespmem:v25+s26+$0x0] =	vst.idx.msk $0xffff, v23;
	v26 =	vld [tilespmem:s5+$0x70]  }
0x94: {  	v29 =	vor.u32 s6, v12;
	[tilespmem:v24+s26+$0x0] =	vst.idx.msk $0xffff, v19;
	v28 =	vld [tilespmem:s5+$0x40]  }
0x95: {  	v31 =	vor.u32 s10, v0;
	v30 =	vld [tilespmem:s5+$0xFFFFFF80];
	[tilespmem:v22+s26+$0x0] =	vst.idx.msk $0xffff, v16  }
0x96: {  	v33 =	vor.u32 s11, v3;
	v32 =	vld [tilespmem:s5+$0xFFFFFFB0];
	[tilespmem:v20+s26+$0x0] =	vst.idx.msk $0xffff, v17  }
0x97: {  	v35 =	vor.u32 s14, v5;
	v34 =	vld [tilespmem:s5+$0xFFFFFFD0];
	[tilespmem:v21+s26+$0x0] =	vst.idx.msk $0xffff, v18  }
.Ltmp6:
0x98: {  	v25 =	vor.u32 s15, v7;
	v23 =	vld [tilespmem:s5+$0xFFFFFFF0];
	[tilespmem:v27+s26+$0x0] =	vst.idx.msk $0xffff, v26;
	(pc) =	sbr.rel @p2 .LBB2_9-.Ltmp6, $4  }
0x99: {  	v24 =	vor.u32 s17, v9;
	v19 =	vld [tilespmem:s5+$0x10];
	[tilespmem:v29+s26+$0x0] =	vst.idx.msk $0xffff, v28  }
0x9a: {  	v22 =	vor.u32 s19, v11;
	[tilespmem:v31+s26+$0x0] =	vst.idx.msk $0xffff, v30;
	v16 =	vld [tilespmem:s5+$0x30]  }
0x9b: {  	v20 =	vor.u32 s6, v13;
	[tilespmem:v33+s26+$0x0] =	vst.idx.msk $0xffff, v32;
	v17 =	vld [tilespmem:s5+$0x50]  }
0x9c: {  	s9 =	sadd.s32 $0x8, s9;
	s12 =	sadd.s32 $0x7, s2;
	v21 =	vor.u32 s10, v1;
	v18 =	vld [tilespmem:s5+$0xFFFFFF90];
	[tilespmem:v35+s26+$0x0] =	vst.idx.msk $0xffff, v34;
	s5 =	sadd.s32 $0x100, s5  }
0x9d: {  	_ =	sdelay $0x3  }
0x9e: {  	v26 =	vld [tilespmem:s5+$0x60];
	v27 =	vor.u32 s12, v14;
	[tilespmem:v25+s26+$0x0] =	vst.idx.msk $0xffff, v23  }
0x9f: {  	s6 =	sadd.s32 $0x1, s2;
	v52 =	vld [tilespmem:s5+$0xFFFFFF80];
	v53 =	vor.u32 s2, v0;
	[tilespmem:v24+s26+$0x0] =	vst.idx.msk $0xffff, v19  }
0xa0: {  	v40 =	vld [tilespmem:s5+$0xFFFFFFA0];
	s9 =	sadd.s32 $0x2, s2;
	v41 =	vor.u32 s6, v2;
	[tilespmem:v22+s26+$0x0] =	vst.idx.msk $0xffff, v16  }
0xa1: {  	v42 =	vld [tilespmem:s5+$0xFFFFFFC0];
	s14 =	sadd.s32 $0x5, s2;
	v43 =	vor.u32 s9, v4;
	[tilespmem:v20+s26+$0x0] =	vst.idx.msk $0xffff, v17  }
0xa2: {  	s10 =	sadd.s32 $0x3, s2;
	v46 =	vld [tilespmem:s5+$0x20];
	v47 =	vor.u32 s14, v10;
	[tilespmem:v21+s26+$0x0] =	vst.idx.msk $0xffff, v18  }
0xa3: {  	s15 =	sadd.s32 $0x6, s2;
	v44 =	vor.u32 s10, v6;
	v16 =	vld [tilespmem:s5+$0xFFFFFFE0];
	[tilespmem:v27+s26+$0x0] =	vst.idx.msk $0xffff, v26  }
0xa4: {  	s11 =	sadd.s32 $0x4, s2;
	v50 =	vld [tilespmem:s5+$0x40];
	v51 =	vor.u32 s15, v12;
	[tilespmem:v53+s26+$0x0] =	vst.idx.msk $0xffff, v52  }
0xa5: {  	v45 =	vor.u32 s11, v8;
	v17 =	vld [tilespmem:s5+$0x0];
	[tilespmem:v41+s26+$0x0] =	vst.idx.msk $0xffff, v40  }
0xa6: {  	v49 =	vor.u32 s12, v15;
	v48 =	vld [tilespmem:s5+$0x70];
	[tilespmem:v43+s26+$0x0] =	vst.idx.msk $0xffff, v42  }
0xa7: {  	v63 =	vor.u32 s2, v1;
	[tilespmem:v47+s26+$0x0] =	vst.idx.msk $0xffff, v46;
	v26 =	vld [tilespmem:s5+$0xFFFFFF90]  }
0xa8: {  	v54 =	vor.u32 s6, v3;
	[tilespmem:v44+s26+$0x0] =	vst.idx.msk $0xffff, v16;
	v16 =	vld [tilespmem:s5+$0xFFFFFFB0]  }
0xa9: {  	v61 =	vor.u32 s14, v11;
	[tilespmem:v51+s26+$0x0] =	vst.idx.msk $0xffff, v50;
	v60 =	vld [tilespmem:s5+$0x30]  }
0xaa: {  	v55 =	vor.u32 s9, v5;
	[tilespmem:v45+s26+$0x0] =	vst.idx.msk $0xffff, v17;
	v17 =	vld [tilespmem:s5+$0xFFFFFFD0]  }
0xab: {  	v57 =	vor.u32 s10, v7;
	v56 =	vld [tilespmem:s5+$0xFFFFFFF0];
	[tilespmem:v49+s26+$0x0] =	vst.idx.msk $0xffff, v48  }
0xac: {  	v59 =	vor.u32 s11, v9;
	v58 =	vld [tilespmem:s5+$0x10];
	[tilespmem:v63+s26+$0x0] =	vst.idx.msk $0xffff, v26  }
0xad: {  	v62 =	vor.u32 s15, v13;
	[tilespmem:v54+s26+$0x0] =	vst.idx.msk $0xffff, v16;
	v16 =	vld [tilespmem:s5+$0x50]  }
0xae: {  	[tilespmem:v61+s26+$0x0] =	vst.idx.msk $0xffff, v60  }
0xaf: {  	[tilespmem:v55+s26+$0x0] =	vst.idx.msk $0xffff, v17  }
0xb0: {  	[tilespmem:v57+s26+$0x0] =	vst.idx.msk $0xffff, v56  }
.Ltmp7:
0xb1: {  	[tilespmem:v59+s26+$0x0] =	vst.idx.msk $0xffff, v58;
	(pc) =	sbr.rel @p1 .LBB2_12-.Ltmp7, $4  }
0xb2: {  	[tilespmem:v62+s26+$0x0] =	vst.idx.msk $0xffff, v16  }
0xb3: {  	s19 =	rddreg [dreg:$0x4]  }
0xb4: {  	s2 =	sadd.s32 s18, s19  }
0xb5: {  	[hbm4b:s2+s22] =	stream.strided.scatter [tilespmem:s26], [sflag:$0x6], $0x1000, s23, s22, $0x38;
	[tilespmem:$0xE400] =	vst v63  }
.Ltmp8:
0xb6: {  	(pc) =	sbr.rel .LBB2_13-.Ltmp8, $4  }
0xb7: {  	_ = 	snop  }
0xb8: {  	_ =	swait.ge [sflag:s28], $0x1000  }
0xb9: {  	[sflag:s28] =	ssyncset.done $0x0  }
0xba: {  	[sflag:s28] =	ssyncadd.s32 $0xFFFFF000  }
.LBB2_12:
0xbb: {  	s2 =	sshll.u32 s16, $0x9  }
0xbc: {  	s2 =	sand.u32 $0x3FFFFE00, s2  }
.Ltmp9:
0xbd: {  	s5 =	simm.s32 $0x7400;
	s2 =	sadd.s32 $0x280, s2;
	(pc) =	sbr.rel @p0 .LBB2_14-.Ltmp9, $4  }
0xbe: {  	[tilespmem:s5], [sflag:$0x2] =	stream.indirect.gather [hbm4b:s3+s13], $0x20, s2, s13, $0xb8;
	[tilespmem:$0xE400] =	vst v63  }
0xbf: {  	_ =	swait.ge [sflag:s28], $0x1000  }
0xc0: {  	[sflag:s28] =	ssyncset.done $0x0  }
0xc1: {  	[sflag:s28] =	ssyncadd.s32 $0xFFFFF000  }
.LBB2_13:
0xc2: {  	_ =	swait.ge [sflag:s29], $0x1000  }
0xc3: {  	[sflag:s29] =	ssyncset.done $0x0  }
0xc4: {  	[sflag:s29] =	ssyncadd.s32 $0xFFFFF000  }
.LBB2_14:
0xc5: {  	s5 =	simm.s32 $0x8480;
	s6 =	simm.s32 $0x1  }
0xc6: {  	s9 =	simm.s32 $0x2;
	v18 =	vld [tilespmem:s5+$0xFFFFFFA0];
	v19 =	vor.u32 s6, v2  }
0xc7: {  	s2 =	simm.s32 $0x7;
	v20 =	vld [tilespmem:s5+$0xFFFFFFC0];
	v21 =	vor.u32 s9, v4  }
0xc8: {  	s10 =	simm.s32 $0x3;
	v16 =	vld [tilespmem:s5+$0x60];
	v17 =	vor.u32 s2, v14  }
0xc9: {  	s11 =	simm.s32 $0x4;
	v22 =	vld [tilespmem:s5+$0xFFFFFFE0];
	v23 =	vor.u32 s10, v6  }
0xca: {  	s12 =	simm.s32 $0x5;
	v24 =	vld [tilespmem:s5+$0x0];
	v25 =	vor.u32 s11, v8  }
0xcb: {  	s14 =	simm.s32 $0x6;
	v26 =	vld [tilespmem:s5+$0x20];
	v27 =	vor.u32 s12, v10;
	[tilespmem:v19+s30+$0x0] =	vst.idx.msk $0xffff, v18  }
0xcc: {  	s15 =	simm.s32 $0x0;
	[tilespmem:v21+s30+$0x0] =	vst.idx.msk $0xffff, v20;
	v18 =	vld [tilespmem:s5+$0x40];
	v20 =	vor.u32 s14, v12  }
0xcd: {  	v28 =	vor.u32 s15, v0;
	[tilespmem:v17+s30+$0x0] =	vst.idx.msk $0xffff, v16;
	v21 =	vld [tilespmem:s5+$0xFFFFFF80]  }
0xce: {  	v17 =	vor.u32 s2, v15;
	[tilespmem:v23+s30+$0x0] =	vst.idx.msk $0xffff, v22;
	v16 =	vld [tilespmem:s5+$0x70]  }
0xcf: {  	v30 =	vor.u32 s6, v3;
	[tilespmem:v25+s30+$0x0] =	vst.idx.msk $0xffff, v24;
	v29 =	vld [tilespmem:s5+$0xFFFFFFB0]  }
0xd0: {  	v32 =	vor.u32 s9, v5;
	[tilespmem:v27+s30+$0x0] =	vst.idx.msk $0xffff, v26;
	v31 =	vld [tilespmem:s5+$0xFFFFFFD0]  }
0xd1: {  	v25 =	vor.u32 s10, v7;
	v23 =	vld [tilespmem:s5+$0xFFFFFFF0];
	[tilespmem:v20+s30+$0x0] =	vst.idx.msk $0xffff, v18  }
0xd2: {  	v24 =	vor.u32 s11, v9;
	v19 =	vld [tilespmem:s5+$0x10];
	[tilespmem:v28+s30+$0x0] =	vst.idx.msk $0xffff, v21  }
0xd3: {  	v22 =	vor.u32 s12, v11;
	[tilespmem:v17+s30+$0x0] =	vst.idx.msk $0xffff, v16;
	v16 =	vld [tilespmem:s5+$0x30]  }
0xd4: {  	s9 =	simm.s32 $0x10;
	v20 =	vor.u32 s14, v13;
	[tilespmem:v30+s30+$0x0] =	vst.idx.msk $0xffff, v29;
	v17 =	vld [tilespmem:s5+$0x50]  }
0xd5: {  	s2 =	simm.s32 $0x8;
	s12 =	simm.s32 $0xF;
	v21 =	vor.u32 s15, v1;
	v18 =	vld [tilespmem:s5+$0xFFFFFF90];
	[tilespmem:v32+s30+$0x0] =	vst.idx.msk $0xffff, v31;
	s5 =	simm.s32 $0x8580  }
.LBB2_15:
0xd6: {  	p2 =	slt.u32 s9, $0x78;
	s6 =	sadd.s32 $0x1, s2;
	v26 =	vld [tilespmem:s5+$0x60];
	v27 =	vor.u32 s12, v14;
	[tilespmem:v25+s30+$0x0] =	vst.idx.msk $0xffff, v23;
	s10 =	smov.u32 s2  }
0xd7: {  	s2 =	smov.u32 s9;
	v23 =	vld [tilespmem:s5+$0xFFFFFFA0];
	v25 =	vor.u32 s6, v2;
	s11 =	sadd.s32 $0x2, s10;
	[tilespmem:v24+s30+$0x0] =	vst.idx.msk $0xffff, v19  }
0xd8: {  	s14 =	sadd.s32 $0x3, s10;
	v19 =	vld [tilespmem:s5+$0xFFFFFFC0];
	v24 =	vor.u32 s11, v4;
	[tilespmem:v22+s30+$0x0] =	vst.idx.msk $0xffff, v16  }
0xd9: {  	s15 =	sadd.s32 $0x4, s10;
	v22 =	vor.u32 s14, v6;
	v16 =	vld [tilespmem:s5+$0xFFFFFFE0];
	[tilespmem:v20+s30+$0x0] =	vst.idx.msk $0xffff, v17  }
0xda: {  	s17 =	sadd.s32 $0x5, s10;
	v20 =	vor.u32 s15, v8;
	v17 =	vld [tilespmem:s5+$0x0];
	[tilespmem:v21+s30+$0x0] =	vst.idx.msk $0xffff, v18  }
0xdb: {  	v21 =	vor.u32 s17, v10;
	v18 =	vld [tilespmem:s5+$0x20];
	[tilespmem:v27+s30+$0x0] =	vst.idx.msk $0xffff, v26  }
0xdc: {  	s19 =	sadd.s32 $0x6, s10;
	v27 =	vor.u32 s12, v15;
	[tilespmem:v25+s30+$0x0] =	vst.idx.msk $0xffff, v23;
	v26 =	vld [tilespmem:s5+$0x70]  }
0xdd: {  	v29 =	vor.u32 s19, v12;
	[tilespmem:v24+s30+$0x0] =	vst.idx.msk $0xffff, v19;
	v28 =	vld [tilespmem:s5+$0x40]  }
0xde: {  	v31 =	vor.u32 s10, v0;
	v30 =	vld [tilespmem:s5+$0xFFFFFF80];
	[tilespmem:v22+s30+$0x0] =	vst.idx.msk $0xffff, v16  }
0xdf: {  	v33 =	vor.u32 s6, v3;
	v32 =	vld [tilespmem:s5+$0xFFFFFFB0];
	[tilespmem:v20+s30+$0x0] =	vst.idx.msk $0xffff, v17  }
0xe0: {  	v35 =	vor.u32 s11, v5;
	v34 =	vld [tilespmem:s5+$0xFFFFFFD0];
	[tilespmem:v21+s30+$0x0] =	vst.idx.msk $0xffff, v18  }
.Ltmp10:
0xe1: {  	v25 =	vor.u32 s14, v7;
	v23 =	vld [tilespmem:s5+$0xFFFFFFF0];
	[tilespmem:v27+s30+$0x0] =	vst.idx.msk $0xffff, v26;
	(pc) =	sbr.rel @p2 .LBB2_15-.Ltmp10, $4  }
0xe2: {  	v24 =	vor.u32 s15, v9;
	v19 =	vld [tilespmem:s5+$0x10];
	[tilespmem:v29+s30+$0x0] =	vst.idx.msk $0xffff, v28  }
0xe3: {  	v22 =	vor.u32 s17, v11;
	[tilespmem:v31+s30+$0x0] =	vst.idx.msk $0xffff, v30;
	v16 =	vld [tilespmem:s5+$0x30]  }
0xe4: {  	v20 =	vor.u32 s19, v13;
	[tilespmem:v33+s30+$0x0] =	vst.idx.msk $0xffff, v32;
	v17 =	vld [tilespmem:s5+$0x50]  }
0xe5: {  	s9 =	sadd.s32 $0x8, s9;
	s12 =	sadd.s32 $0x7, s2;
	v21 =	vor.u32 s10, v1;
	v18 =	vld [tilespmem:s5+$0xFFFFFF90];
	[tilespmem:v35+s30+$0x0] =	vst.idx.msk $0xffff, v34;
	s5 =	sadd.s32 $0x100, s5  }
0xe6: {  	_ =	sdelay $0x3  }
0xe7: {  	v26 =	vld [tilespmem:s5+$0x60];
	v27 =	vor.u32 s12, v14;
	[tilespmem:v25+s30+$0x0] =	vst.idx.msk $0xffff, v23  }
0xe8: {  	s6 =	sadd.s32 $0x1, s2;
	v52 =	vld [tilespmem:s5+$0xFFFFFF80];
	v53 =	vor.u32 s2, v0;
	[tilespmem:v24+s30+$0x0] =	vst.idx.msk $0xffff, v19  }
0xe9: {  	v40 =	vld [tilespmem:s5+$0xFFFFFFA0];
	s9 =	sadd.s32 $0x2, s2;
	v41 =	vor.u32 s6, v2;
	[tilespmem:v22+s30+$0x0] =	vst.idx.msk $0xffff, v16  }
0xea: {  	v42 =	vld [tilespmem:s5+$0xFFFFFFC0];
	s14 =	sadd.s32 $0x5, s2;
	v43 =	vor.u32 s9, v4;
	[tilespmem:v20+s30+$0x0] =	vst.idx.msk $0xffff, v17  }
0xeb: {  	s10 =	sadd.s32 $0x3, s2;
	v46 =	vld [tilespmem:s5+$0x20];
	v47 =	vor.u32 s14, v10;
	[tilespmem:v21+s30+$0x0] =	vst.idx.msk $0xffff, v18  }
0xec: {  	s15 =	sadd.s32 $0x6, s2;
	v44 =	vor.u32 s10, v6;
	v16 =	vld [tilespmem:s5+$0xFFFFFFE0];
	[tilespmem:v27+s30+$0x0] =	vst.idx.msk $0xffff, v26  }
0xed: {  	s11 =	sadd.s32 $0x4, s2;
	v50 =	vld [tilespmem:s5+$0x40];
	v51 =	vor.u32 s15, v12;
	[tilespmem:v53+s30+$0x0] =	vst.idx.msk $0xffff, v52  }
0xee: {  	v45 =	vor.u32 s11, v8;
	v17 =	vld [tilespmem:s5+$0x0];
	[tilespmem:v41+s30+$0x0] =	vst.idx.msk $0xffff, v40  }
0xef: {  	v49 =	vor.u32 s12, v15;
	v48 =	vld [tilespmem:s5+$0x70];
	[tilespmem:v43+s30+$0x0] =	vst.idx.msk $0xffff, v42  }
0xf0: {  	v63 =	vor.u32 s2, v1;
	[tilespmem:v47+s30+$0x0] =	vst.idx.msk $0xffff, v46;
	v26 =	vld [tilespmem:s5+$0xFFFFFF90]  }
0xf1: {  	v54 =	vor.u32 s6, v3;
	[tilespmem:v44+s30+$0x0] =	vst.idx.msk $0xffff, v16;
	v16 =	vld [tilespmem:s5+$0xFFFFFFB0]  }
0xf2: {  	v61 =	vor.u32 s14, v11;
	[tilespmem:v51+s30+$0x0] =	vst.idx.msk $0xffff, v50;
	v60 =	vld [tilespmem:s5+$0x30]  }
0xf3: {  	v55 =	vor.u32 s9, v5;
	[tilespmem:v45+s30+$0x0] =	vst.idx.msk $0xffff, v17;
	v17 =	vld [tilespmem:s5+$0xFFFFFFD0]  }
0xf4: {  	v57 =	vor.u32 s10, v7;
	v56 =	vld [tilespmem:s5+$0xFFFFFFF0];
	[tilespmem:v49+s30+$0x0] =	vst.idx.msk $0xffff, v48  }
0xf5: {  	v59 =	vor.u32 s11, v9;
	v58 =	vld [tilespmem:s5+$0x10];
	[tilespmem:v63+s30+$0x0] =	vst.idx.msk $0xffff, v26  }
0xf6: {  	v62 =	vor.u32 s15, v13;
	[tilespmem:v54+s30+$0x0] =	vst.idx.msk $0xffff, v16;
	v16 =	vld [tilespmem:s5+$0x50]  }
0xf7: {  	[tilespmem:v61+s30+$0x0] =	vst.idx.msk $0xffff, v60  }
.Ltmp11:
0xf8: {  	[tilespmem:v55+s30+$0x0] =	vst.idx.msk $0xffff, v17;
	(pc) =	sbr.rel @p1 .LBB2_18-.Ltmp11, $4  }
0xf9: {  	[tilespmem:v57+s30+$0x0] =	vst.idx.msk $0xffff, v56  }
0xfa: {  	[tilespmem:v59+s30+$0x0] =	vst.idx.msk $0xffff, v58  }
0xfb: {  	s19 =	sadd.s32 s18, s7;
	[tilespmem:v62+s30+$0x0] =	vst.idx.msk $0xffff, v16  }
0xfc: {  	[hbm4b:s19+s22] =	stream.strided.scatter [tilespmem:s30], [sflag:$0x7], $0x1000, s23, s22, $0x38;
	[tilespmem:$0xE400] =	vst v63  }
.Ltmp12:
0xfd: {  	(pc) =	sbr.rel .LBB2_19-.Ltmp12, $4  }
0xfe: {  	_ = 	snop  }
0xff: {  	_ =	swait.ge [sflag:s31], $0x1000  }
0x100: {  	[sflag:s31] =	ssyncset.done $0x0  }
0x101: {  	[sflag:s31] =	ssyncadd.s32 $0xFFFFF000  }
.LBB2_18:
0x102: {  	s2 =	sshll.u32 s16, $0x9  }
0x103: {  	s2 =	sand.u32 $0x3FFFFE00, s2  }
.Ltmp13:
0x104: {  	s5 =	simm.s32 $0x8400;
	s2 =	sadd.s32 $0x300, s2;
	(pc) =	sbr.rel @p0 .LBB2_20-.Ltmp13, $4  }
0x105: {  	[tilespmem:s5], [sflag:$0x3] =	stream.indirect.gather [hbm4b:s3+s13], $0x20, s2, s13, $0xb8;
	[tilespmem:$0xE400] =	vst v63  }
0x106: {  	_ =	swait.ge [sflag:s31], $0x1000  }
0x107: {  	[sflag:s31] =	ssyncset.done $0x0  }
0x108: {  	[sflag:s31] =	ssyncadd.s32 $0xFFFFF000  }
.LBB2_19:
0x109: {  	_ =	swait.ge [sflag:s0], $0x1000  }
0x10a: {  	[sflag:s0] =	ssyncset.done $0x0  }
0x10b: {  	[sflag:s0] =	ssyncadd.s32 $0xFFFFF000  }
.LBB2_20:
0x10c: {  	s5 =	simm.s32 $0x9480;
	s6 =	simm.s32 $0x1  }
0x10d: {  	s9 =	simm.s32 $0x2;
	v18 =	vld [tilespmem:s5+$0xFFFFFFA0];
	v19 =	vor.u32 s6, v2  }
0x10e: {  	s2 =	simm.s32 $0x7;
	v20 =	vld [tilespmem:s5+$0xFFFFFFC0];
	v21 =	vor.u32 s9, v4  }
0x10f: {  	s10 =	simm.s32 $0x3;
	v16 =	vld [tilespmem:s5+$0x60];
	v17 =	vor.u32 s2, v14  }
0x110: {  	s11 =	simm.s32 $0x4;
	v22 =	vld [tilespmem:s5+$0xFFFFFFE0];
	v23 =	vor.u32 s10, v6  }
0x111: {  	s12 =	simm.s32 $0x5;
	v24 =	vld [tilespmem:s5+$0x0];
	v25 =	vor.u32 s11, v8  }
0x112: {  	s14 =	simm.s32 $0x6;
	v26 =	vld [tilespmem:s5+$0x20];
	v27 =	vor.u32 s12, v10;
	[tilespmem:v19+s1+$0x0] =	vst.idx.msk $0xffff, v18  }
0x113: {  	s15 =	simm.s32 $0x0;
	[tilespmem:v21+s1+$0x0] =	vst.idx.msk $0xffff, v20;
	v18 =	vld [tilespmem:s5+$0x40];
	v20 =	vor.u32 s14, v12  }
0x114: {  	v28 =	vor.u32 s15, v0;
	[tilespmem:v17+s1+$0x0] =	vst.idx.msk $0xffff, v16;
	v21 =	vld [tilespmem:s5+$0xFFFFFF80]  }
0x115: {  	v17 =	vor.u32 s2, v15;
	[tilespmem:v23+s1+$0x0] =	vst.idx.msk $0xffff, v22;
	v16 =	vld [tilespmem:s5+$0x70]  }
0x116: {  	v30 =	vor.u32 s6, v3;
	[tilespmem:v25+s1+$0x0] =	vst.idx.msk $0xffff, v24;
	v29 =	vld [tilespmem:s5+$0xFFFFFFB0]  }
0x117: {  	v32 =	vor.u32 s9, v5;
	[tilespmem:v27+s1+$0x0] =	vst.idx.msk $0xffff, v26;
	v31 =	vld [tilespmem:s5+$0xFFFFFFD0]  }
0x118: {  	v25 =	vor.u32 s10, v7;
	v23 =	vld [tilespmem:s5+$0xFFFFFFF0];
	[tilespmem:v20+s1+$0x0] =	vst.idx.msk $0xffff, v18  }
0x119: {  	v24 =	vor.u32 s11, v9;
	v19 =	vld [tilespmem:s5+$0x10];
	[tilespmem:v28+s1+$0x0] =	vst.idx.msk $0xffff, v21  }
0x11a: {  	v22 =	vor.u32 s12, v11;
	[tilespmem:v17+s1+$0x0] =	vst.idx.msk $0xffff, v16;
	v16 =	vld [tilespmem:s5+$0x30]  }
0x11b: {  	s9 =	simm.s32 $0x10;
	v20 =	vor.u32 s14, v13;
	[tilespmem:v30+s1+$0x0] =	vst.idx.msk $0xffff, v29;
	v17 =	vld [tilespmem:s5+$0x50]  }
0x11c: {  	s2 =	simm.s32 $0x8;
	s12 =	simm.s32 $0xF;
	v21 =	vor.u32 s15, v1;
	v18 =	vld [tilespmem:s5+$0xFFFFFF90];
	[tilespmem:v32+s1+$0x0] =	vst.idx.msk $0xffff, v31;
	s5 =	simm.s32 $0x9580  }
.LBB2_21:
0x11d: {  	p0 =	slt.u32 s9, $0x78;
	s6 =	sadd.s32 $0x1, s2;
	v26 =	vld [tilespmem:s5+$0x60];
	v27 =	vor.u32 s12, v14;
	[tilespmem:v25+s1+$0x0] =	vst.idx.msk $0xffff, v23;
	s10 =	smov.u32 s2  }
0x11e: {  	s2 =	smov.u32 s9;
	v23 =	vld [tilespmem:s5+$0xFFFFFFA0];
	v25 =	vor.u32 s6, v2;
	s11 =	sadd.s32 $0x2, s10;
	[tilespmem:v24+s1+$0x0] =	vst.idx.msk $0xffff, v19  }
0x11f: {  	s14 =	sadd.s32 $0x3, s10;
	v19 =	vld [tilespmem:s5+$0xFFFFFFC0];
	v24 =	vor.u32 s11, v4;
	[tilespmem:v22+s1+$0x0] =	vst.idx.msk $0xffff, v16  }
0x120: {  	s15 =	sadd.s32 $0x4, s10;
	v22 =	vor.u32 s14, v6;
	v16 =	vld [tilespmem:s5+$0xFFFFFFE0];
	[tilespmem:v20+s1+$0x0] =	vst.idx.msk $0xffff, v17  }
0x121: {  	s17 =	sadd.s32 $0x5, s10;
	v20 =	vor.u32 s15, v8;
	v17 =	vld [tilespmem:s5+$0x0];
	[tilespmem:v21+s1+$0x0] =	vst.idx.msk $0xffff, v18  }
0x122: {  	v21 =	vor.u32 s17, v10;
	v18 =	vld [tilespmem:s5+$0x20];
	[tilespmem:v27+s1+$0x0] =	vst.idx.msk $0xffff, v26  }
0x123: {  	s19 =	sadd.s32 $0x6, s10;
	v27 =	vor.u32 s12, v15;
	[tilespmem:v25+s1+$0x0] =	vst.idx.msk $0xffff, v23;
	v26 =	vld [tilespmem:s5+$0x70]  }
0x124: {  	v29 =	vor.u32 s19, v12;
	[tilespmem:v24+s1+$0x0] =	vst.idx.msk $0xffff, v19;
	v28 =	vld [tilespmem:s5+$0x40]  }
0x125: {  	v31 =	vor.u32 s10, v0;
	v30 =	vld [tilespmem:s5+$0xFFFFFF80];
	[tilespmem:v22+s1+$0x0] =	vst.idx.msk $0xffff, v16  }
0x126: {  	v33 =	vor.u32 s6, v3;
	v32 =	vld [tilespmem:s5+$0xFFFFFFB0];
	[tilespmem:v20+s1+$0x0] =	vst.idx.msk $0xffff, v17  }
0x127: {  	v35 =	vor.u32 s11, v5;
	v34 =	vld [tilespmem:s5+$0xFFFFFFD0];
	[tilespmem:v21+s1+$0x0] =	vst.idx.msk $0xffff, v18  }
.Ltmp14:
0x128: {  	v25 =	vor.u32 s14, v7;
	v23 =	vld [tilespmem:s5+$0xFFFFFFF0];
	[tilespmem:v27+s1+$0x0] =	vst.idx.msk $0xffff, v26;
	(pc) =	sbr.rel @p0 .LBB2_21-.Ltmp14, $4  }
0x129: {  	v24 =	vor.u32 s15, v9;
	v19 =	vld [tilespmem:s5+$0x10];
	[tilespmem:v29+s1+$0x0] =	vst.idx.msk $0xffff, v28  }
0x12a: {  	v22 =	vor.u32 s17, v11;
	[tilespmem:v31+s1+$0x0] =	vst.idx.msk $0xffff, v30;
	v16 =	vld [tilespmem:s5+$0x30]  }
0x12b: {  	v20 =	vor.u32 s19, v13;
	[tilespmem:v33+s1+$0x0] =	vst.idx.msk $0xffff, v32;
	v17 =	vld [tilespmem:s5+$0x50]  }
0x12c: {  	s9 =	sadd.s32 $0x8, s9;
	s12 =	sadd.s32 $0x7, s2;
	v21 =	vor.u32 s10, v1;
	v18 =	vld [tilespmem:s5+$0xFFFFFF90];
	[tilespmem:v35+s1+$0x0] =	vst.idx.msk $0xffff, v34;
	s5 =	sadd.s32 $0x100, s5  }
0x12d: {  	_ =	sdelay $0x3  }
0x12e: {  	v26 =	vld [tilespmem:s5+$0x60];
	v27 =	vor.u32 s12, v14;
	[tilespmem:v25+s1+$0x0] =	vst.idx.msk $0xffff, v23  }
0x12f: {  	s6 =	sadd.s32 $0x1, s2;
	v52 =	vld [tilespmem:s5+$0xFFFFFF80];
	v53 =	vor.u32 s2, v0;
	[tilespmem:v24+s1+$0x0] =	vst.idx.msk $0xffff, v19  }
0x130: {  	v40 =	vld [tilespmem:s5+$0xFFFFFFA0];
	s9 =	sadd.s32 $0x2, s2;
	v41 =	vor.u32 s6, v2;
	[tilespmem:v22+s1+$0x0] =	vst.idx.msk $0xffff, v16  }
0x131: {  	v42 =	vld [tilespmem:s5+$0xFFFFFFC0];
	s14 =	sadd.s32 $0x5, s2;
	v43 =	vor.u32 s9, v4;
	[tilespmem:v20+s1+$0x0] =	vst.idx.msk $0xffff, v17  }
0x132: {  	s10 =	sadd.s32 $0x3, s2;
	v46 =	vld [tilespmem:s5+$0x20];
	v47 =	vor.u32 s14, v10;
	[tilespmem:v21+s1+$0x0] =	vst.idx.msk $0xffff, v18  }
0x133: {  	s15 =	sadd.s32 $0x6, s2;
	v44 =	vor.u32 s10, v6;
	v16 =	vld [tilespmem:s5+$0xFFFFFFE0];
	[tilespmem:v27+s1+$0x0] =	vst.idx.msk $0xffff, v26  }
0x134: {  	s11 =	sadd.s32 $0x4, s2;
	v50 =	vld [tilespmem:s5+$0x40];
	v51 =	vor.u32 s15, v12;
	[tilespmem:v53+s1+$0x0] =	vst.idx.msk $0xffff, v52  }
0x135: {  	v45 =	vor.u32 s11, v8;
	v17 =	vld [tilespmem:s5+$0x0];
	[tilespmem:v41+s1+$0x0] =	vst.idx.msk $0xffff, v40  }
0x136: {  	v49 =	vor.u32 s12, v15;
	v48 =	vld [tilespmem:s5+$0x70];
	[tilespmem:v43+s1+$0x0] =	vst.idx.msk $0xffff, v42  }
0x137: {  	v63 =	vor.u32 s2, v1;
	[tilespmem:v47+s1+$0x0] =	vst.idx.msk $0xffff, v46;
	v26 =	vld [tilespmem:s5+$0xFFFFFF90]  }
0x138: {  	v54 =	vor.u32 s6, v3;
	[tilespmem:v44+s1+$0x0] =	vst.idx.msk $0xffff, v16;
	v16 =	vld [tilespmem:s5+$0xFFFFFFB0]  }
0x139: {  	v61 =	vor.u32 s14, v11;
	[tilespmem:v51+s1+$0x0] =	vst.idx.msk $0xffff, v50;
	v60 =	vld [tilespmem:s5+$0x30]  }
0x13a: {  	v55 =	vor.u32 s9, v5;
	[tilespmem:v45+s1+$0x0] =	vst.idx.msk $0xffff, v17;
	v17 =	vld [tilespmem:s5+$0xFFFFFFD0]  }
0x13b: {  	v57 =	vor.u32 s10, v7;
	v56 =	vld [tilespmem:s5+$0xFFFFFFF0];
	[tilespmem:v49+s1+$0x0] =	vst.idx.msk $0xffff, v48  }
0x13c: {  	v59 =	vor.u32 s11, v9;
	v58 =	vld [tilespmem:s5+$0x10];
	[tilespmem:v63+s1+$0x0] =	vst.idx.msk $0xffff, v26  }
0x13d: {  	v62 =	vor.u32 s15, v13;
	[tilespmem:v54+s1+$0x0] =	vst.idx.msk $0xffff, v16;
	v16 =	vld [tilespmem:s5+$0x50]  }
0x13e: {  	p0 =	seq.s32 s16, $0x31;
	[tilespmem:v61+s1+$0x0] =	vst.idx.msk $0xffff, v60  }
.Ltmp15:
0x13f: {  	[tilespmem:v55+s1+$0x0] =	vst.idx.msk $0xffff, v17;
	(pc) =	sbr.rel @p0 .LBB2_24-.Ltmp15, $4  }
0x140: {  	[tilespmem:v57+s1+$0x0] =	vst.idx.msk $0xffff, v56  }
0x141: {  	[tilespmem:v59+s1+$0x0] =	vst.idx.msk $0xffff, v58  }
0x142: {  	s19 =	sadd.s32 s18, s8;
	[tilespmem:v62+s1+$0x0] =	vst.idx.msk $0xffff, v16  }
0x143: {  	[hbm4b:s19+s22] =	stream.strided.scatter [tilespmem:s1], [sflag:$0x8], $0x1000, s23, s22, $0x38;
	[tilespmem:$0xE400] =	vst v63  }
.Ltmp16:
0x144: {  	(pc) =	sbr.rel .LBB2_2-.Ltmp16, $4  }
0x145: {  	s2 =	sshll.u32 s16, $0x9  }
0x146: {  	s2 =	sand.u32 $0x3FFFFE00, s2  }
0x147: {  	s5 =	simm.s32 $0x9400;
	s16 =	sadd.s32 $0x1, s16;
	s2 =	sadd.s32 $0x380, s2  }
0x148: {  	[tilespmem:s5], [sflag:$0x4] =	stream.indirect.gather [hbm4b:s3+s13], $0x20, s2, s13, $0xb8;
	[tilespmem:$0xE400] =	vst v63  }
.LBB2_25:
0x149: {  	_ =	sfence.sel $0x180000  }
0x14a: {  	[bflag:$0x0] =	sbarrier.arrive $0xFFFF  }
0x14b: {  	_ =	strace $0x90000047  }
0x14c: {  	s0 =	stileid.u32;
	[bflag:$0x2] =	sbarrier.arrive $0xFFFF  }
0x14d: {  	p0 =	sne.s32 s0, $0x0;
	s0 =	rddreg [dreg:$0x2]  }
0x14e: {  	s0 =	sadd.s32 @!p0 $0x100000, s0  }
0x14f: {  	[sflag:s0] =	ssyncadd.tile.s32 @!p0 $0x1;
	_ =	shalt  }
.Lfunc_end2:
_tile_overlayer_lowered:
.L_overlay_start_2:
0x150: {  	(tag) =	ssettag $0x2  }
0x151: {  	s0 =	rddreg [dreg:$0x0];
	s2 =	stileid.u32  }
0x152: {  	s1 =	rddreg [dreg:$0x1];
	p0 =	sne.s32 s2, $0x0  }
0x153: {  	s3 =	rddreg [dreg:$0x2];
	[bflag:$0x3] =	sbarrier.arrive $0xFFFF;
	s2 =	simm.s32 @!p0 $0x1C09  }
0x154: {  	[timem:s3], [sflag:s2] =	dma.local @!p0 [hbm:s0], s1  }
0x155: {  	s0 =	simm.s32 @!p0 $0x9  }
0x156: {  	_ =	swait.ge @!p0 [sflag:s0], s1  }
0x157: {  	s1 =	ssub.s32 @!p0 $0x0, s1;
	[sflag:s0] =	ssyncset.done @!p0 $0x0  }
0x158: {  	[sflag:s0] =	ssyncadd.s32 @!p0 s1  }
0x159: {  	[bflag:$0x3] =	sbarrier.arrive $0xFFFF  }
0x15a: {  	_ =	shalt  }

</sc_bundles>
